<compile_context>
chip_gen: v7x
topology: tpu7x:2x2x1
jax: 0.10.2.dev20260603
libtpu: 0.0.44.dev20260713+nightly
codegen_flags: <defaults>
</compile_context>

<pallas_src>
import functools
import jax
import jax.numpy as jnp
from jax import lax
from jax.experimental import pallas as pl
from jax.experimental.pallas import tpu as pltpu
from jax.experimental.pallas import tpu_sc as plsc

_R = 8192
_C = 4096
_N = _R * _C
_BR = 512
_NB = _R // _BR

_RT = 7168
_NBT = _RT // _BR
_NW = 32
_ROWS_W = (_R - _RT) // _NW
_CHR = 4
_NPAIR = _ROWS_W // (2 * _CHR)

_mesh = plsc.VectorSubcoreMesh(core_axis_name="c", subcore_axis_name="s")


def _accum_buf(buf, acc_s, acc_q):
    def body(k, carry):
        cs, cq = carry
        base = k * 128
        for r in range(_CHR):
            for j in range(8):
                v = buf[r, pl.ds(base + j * 16, 16)]
                cs = cs + v
                cq = cq + v * v
        return cs, cq
    return lax.fori_loop(0, _C // 128, body, (acc_s, acc_q))


@functools.partial(
    pl.kernel,
    mesh=_mesh,
    out_type=[
        jax.ShapeDtypeStruct((_NW, 16), jnp.float32),
        jax.ShapeDtypeStruct((_NW, 16), jnp.float32),
    ],
    scratch_types=[
        pltpu.VMEM((_CHR, _C), jnp.float32),
        pltpu.VMEM((_CHR, _C), jnp.float32),
        pltpu.VMEM((16,), jnp.float32),
        pltpu.VMEM((16,), jnp.float32),
        pltpu.SemaphoreType.DMA,
        pltpu.SemaphoreType.DMA,
    ],
)
def _sc_stats(x_hbm, s_out, q_out, buf0, buf1, st_s, st_q, sem0, sem1):
    wid = lax.axis_index("s") * 2 + lax.axis_index("c")
    row0 = _RT + wid * _ROWS_W

    pltpu.async_copy(x_hbm.at[pl.ds(row0, _CHR), :], buf0, sem0)

    def pair(j, carry):
        acc_s, acc_q = carry
        r0 = row0 + 2 * j * _CHR
        pltpu.async_copy(x_hbm.at[pl.ds(r0 + _CHR, _CHR), :], buf1, sem1)
        pltpu.make_async_copy(x_hbm.at[pl.ds(0, _CHR), :], buf0, sem0).wait()
        acc_s, acc_q = _accum_buf(buf0, acc_s, acc_q)

        @pl.when(j < _NPAIR - 1)
        def _():
            pltpu.async_copy(x_hbm.at[pl.ds(r0 + 2 * _CHR, _CHR), :], buf0, sem0)

        pltpu.make_async_copy(x_hbm.at[pl.ds(0, _CHR), :], buf1, sem1).wait()
        acc_s, acc_q = _accum_buf(buf1, acc_s, acc_q)
        return acc_s, acc_q

    z = jnp.zeros((16,), jnp.float32)
    acc_s, acc_q = lax.fori_loop(0, _NPAIR, pair, (z, z))
    st_s[...] = acc_s
    st_q[...] = acc_q
    pltpu.sync_copy(st_s, s_out.at[wid])
    pltpu.sync_copy(st_q, q_out.at[wid])


def _tc_stats_kernel(x_ref, o_ref, acc_ref):
    i = pl.program_id(0)
    x = x_ref[...]

    @pl.when(i == 0)
    def _():
        acc_ref[0, 0] = 0.0
        acc_ref[0, 1] = 0.0

    acc_ref[0, 0] += jnp.sum(x)
    acc_ref[0, 1] += jnp.sum(x * x)

    @pl.when(i == _NBT - 1)
    def _():
        o_ref[0, 0] = acc_ref[0, 0]
        o_ref[0, 1] = acc_ref[0, 1]


def _tc_apply_kernel(ab_ref, x_ref, o_ref):
    o_ref[...] = x_ref[...] * ab_ref[0] + ab_ref[1]


def kernel(data, params, scalei, scaleo):
    x2 = data.reshape(_R, _C)

    sq_tc = pl.pallas_call(
        _tc_stats_kernel,
        grid=(_NBT,),
        in_specs=[pl.BlockSpec((_BR, _C), lambda i: (i, 0))],
        out_specs=pl.BlockSpec(memory_space=pltpu.SMEM),
        out_shape=jax.ShapeDtypeStruct((1, 2), jnp.float32),
        scratch_shapes=[pltpu.SMEM((1, 2), jnp.float32)],
    )(x2)

    s_p, q_p = _sc_stats(x2)

    s = sq_tc[0, 0] + jnp.sum(s_p)
    q = sq_tc[0, 1] + jnp.sum(q_p)
    mean = s / _N
    var = (q - s * s / _N) / (_N - 1)
    std = jnp.sqrt(var)
    t0 = params[0, 0, 0]
    v0 = params[1, 0, 0]
    ci = scalei.reshape(())
    co = scaleo.reshape(())
    amp = jnp.exp(v0 * jnp.sin(t0)) * ci
    alpha = jnp.sign(amp) * co / std
    beta = -mean * alpha
    ab = jnp.stack([alpha, beta])

    out = pl.pallas_call(
        _tc_apply_kernel,
        grid=(_NB,),
        in_specs=[
            pl.BlockSpec(memory_space=pltpu.SMEM),
            pl.BlockSpec((_BR, _C), lambda i: (i, 0)),
        ],
        out_specs=pl.BlockSpec((_BR, _C), lambda i: (i, 0)),
        out_shape=jax.ShapeDtypeStruct((_R, _C), jnp.float32),
    )(ab, x2)
    return out.reshape(data.shape)

# --- scband reference (transcript-rebuilt; emitter-appended) ---
"""Pipeline reference for scband-lnon-37460704756094 (READ-ONLY COPY).

The authoritative reference and input builder live on the scoring server;
editing this copy changes nothing except your own understanding.
"""

import jax, jax.numpy as jnp
import numpy as np

GROUPS = 1
POINTS = 120


def setup_inputs(seed: int = 0) -> dict:
    key = jax.random.key(seed)
    data = jax.random.normal(key, (4, 2048, 4096), dtype=jnp.float32)
    theta = jnp.concatenate([jnp.linspace(-jnp.pi, jnp.pi, POINTS).reshape(1, 1, POINTS) for _ in range(GROUPS)], axis=1)
    velocity = jnp.concatenate([jnp.linspace(0.0, 3.0, POINTS).reshape(1, 1, POINTS) for _ in range(GROUPS)], axis=1)
    params = jnp.concatenate([theta, velocity], axis=0).astype(jnp.float32)
    scalei = jnp.ones((1, GROUPS, 1, 1), dtype=jnp.float32)
    scaleo = jnp.ones((1, GROUPS, 1, 1), dtype=jnp.float32)
    return {"data": data, "params": params, "scalei": scalei, "scaleo": scaleo}


def _interp(param, data, mode):
    # Faithful port of LNon.by_sigmoid / by_tanh, including the clamp to
    # param.size(1)-1 (the group dim), exactly as in the torch source.
    points = param.shape[-1]
    shape = data.shape
    data_ = data.reshape(-1)
    param_ = param.reshape(-1)
    if mode == 'sigmoid':
        index = jax.nn.sigmoid(data_) * (points - 1)
    else:
        index = jnp.abs(jnp.tanh(data_) * (points - 1))
    begin = jnp.floor(index).astype(jnp.int32)
    begin = jnp.clip(begin, 0, param.shape[1] - 1)
    pos = index - begin.astype(data_.dtype)
    end = jnp.clip(begin + 1, 0, param.shape[1] - 1)
    frame = param_
    result = (1.0 - pos) * jnp.take(frame, begin) + pos * jnp.take(frame, end)
    return result.reshape(shape)


def _foilize(data, param):
    theta = _interp(param[0:1], data, 'sigmoid')
    velo = _interp(param[1:2], data, 'tanh')
    ds = velo
    dx = ds * jnp.cos(theta)
    dy = ds * jnp.sin(theta)
    return data * jnp.exp(dy) + dx


def _forward(data, params, scalei, scaleo):
    shape = data.shape
    d = (data - jnp.mean(data)) / jnp.std(data, ddof=1) * scalei
    trunk = []
    for ix in range(GROUPS):
        data_slice = d[:, ix::GROUPS].reshape(-1, 1, 1)
        param_slice = params[:, ix:ix + 1]
        trunk.append(_foilize(data_slice, param_slice))
    d = jnp.concatenate(trunk, axis=1)
    d = (d - jnp.mean(d)) / jnp.std(d, ddof=1) * scaleo
    return d.reshape(shape)


def reference(data, params, scalei, scaleo):
    return _forward(data, params, scalei, scaleo)

if __name__ == "__main__":
    import jax
    _d = setup_inputs()
    print(jax.jit(kernel)(*tuple(_d.values())))

</pallas_src>

<mosaic_0001>
#map = affine_map<(d0, d1) -> (0, 0)>
module attributes {stable_mosaic.version = 14 : i64} {
  func.func @_sc_stats(%arg0: i32, %arg1: i32, %arg2: memref<8192x4096xf32, #tpu.memory_space<hbm>>, %arg3: memref<32x16xf32, #tpu.memory_space<hbm>>, %arg4: memref<32x16xf32, #tpu.memory_space<hbm>>, %arg5: memref<4x4096xf32, #tpu.memory_space<vmem>>, %arg6: memref<4x4096xf32, #tpu.memory_space<vmem>>, %arg7: memref<16xf32, #tpu.memory_space<vmem>>, %arg8: memref<16xf32, #tpu.memory_space<vmem>>, %arg9: memref<!tpu.dma_semaphore, #tpu.memory_space<semaphore_mem>>, %arg10: memref<!tpu.dma_semaphore, #tpu.memory_space<semaphore_mem>>) attributes {dimension_semantics = [#tpu.dimension_semantics<core_parallel>, #tpu.dimension_semantics<subcore_parallel>], iteration_bounds = array<i64: 2, 16>, scalar_prefetch = 0 : i64, scratch_operands = 6 : i64, tpu.core_type = #tpu.core_type<sc_vector_subcore>, window_params = [{transform_indices = #map}, {transform_indices = #map}, {transform_indices = #map}]} {
    %mul3A = arith.constant 2 : i32
    %mul3A_0 = arith.muli %arg1, %mul3A : i32
    %add3A = arith.addi %mul3A_0, %arg0 : i32
    %mul3A_1 = arith.constant 32 : i32
    %mul3A_2 = arith.muli %add3A, %mul3A_1 : i32
    %add3A_3 = arith.constant 7168 : i32
    %add3A_4 = arith.addi %add3A_3, %mul3A_2 : i32
    %dma_start3A = arith.constant 0 : i32
    %dma_start3A_5 = tpu.memref_slice %arg2[%add3A_4, %dma_start3A] : memref<8192x4096xf32, #tpu.memory_space<hbm>> -> memref<4x4096xf32, #tpu.memory_space<hbm>>
    %dma_start3A_6 = arith.constant 0 : i32
    %dma_start3A_7 = tpu.memref_slice %arg2[%add3A_4, %dma_start3A_6] : memref<8192x4096xf32, #tpu.memory_space<hbm>> -> memref<4x4096xf32, #tpu.memory_space<hbm>>
    tpu.enqueue_dma source(%dma_start3A_7 : memref<4x4096xf32, #tpu.memory_space<hbm>>) target(%arg5 : memref<4x4096xf32, #tpu.memory_space<vmem>>) target_semaphore(%arg9 : memref<!tpu.dma_semaphore, #tpu.memory_space<semaphore_mem>>)
    %broadcast_in_dim3A = arith.constant 0.000000e+00 : f32
    %broadcast_in_dim3A_8 = vector.broadcast %broadcast_in_dim3A : f32 to vector<16xf32>
    %scan3A = arith.constant 0 : i32
    %scan3A_9 = arith.constant 4 : i32
    %scan3A_10 = arith.addi %scan3A, %scan3A_9 : i32
    %scan3A_11 = arith.constant 1 : i32
    %scan3A_12:2 = scf.for %scan3A_21 = %scan3A to %scan3A_10 step %scan3A_11 iter_args(%scan3A_22 = %broadcast_in_dim3A_8, %scan3A_23 = %broadcast_in_dim3A_8) -> (vector<16xf32>, vector<16xf32>)  : i32 {
      %mul3A_24 = arith.constant 2 : i32
      %mul3A_25 = arith.muli %mul3A_24, %scan3A_21 : i32
      %mul3A_26 = arith.constant 4 : i32
      %mul3A_27 = arith.muli %mul3A_25, %mul3A_26 : i32
      %add3A_28 = arith.addi %add3A_4, %mul3A_27 : i32
      %add3A_29 = arith.constant 4 : i32
      %add3A_30 = arith.addi %add3A_28, %add3A_29 : i32
      %dma_start3A_31 = arith.constant 0 : i32
      %dma_start3A_32 = tpu.memref_slice %arg2[%add3A_30, %dma_start3A_31] : memref<8192x4096xf32, #tpu.memory_space<hbm>> -> memref<4x4096xf32, #tpu.memory_space<hbm>>
      %dma_start3A_33 = arith.constant 0 : i32
      %dma_start3A_34 = tpu.memref_slice %arg2[%add3A_30, %dma_start3A_33] : memref<8192x4096xf32, #tpu.memory_space<hbm>> -> memref<4x4096xf32, #tpu.memory_space<hbm>>
      tpu.enqueue_dma source(%dma_start3A_34 : memref<4x4096xf32, #tpu.memory_space<hbm>>) target(%arg6 : memref<4x4096xf32, #tpu.memory_space<vmem>>) target_semaphore(%arg10 : memref<!tpu.dma_semaphore, #tpu.memory_space<semaphore_mem>>)
      %dma_wait3A = arith.constant 0 : i32
      %dma_wait3A_35 = arith.constant 0 : i32
      %dma_wait3A_36 = tpu.memref_slice %arg2[%dma_wait3A, %dma_wait3A_35] : memref<8192x4096xf32, #tpu.memory_space<hbm>> -> memref<4x4096xf32, #tpu.memory_space<hbm>>
      %dma_wait3A_37 = arith.constant 0 : i32
      %dma_wait3A_38 = arith.constant 0 : i32
      %dma_wait3A_39 = tpu.memref_slice %arg2[%dma_wait3A_37, %dma_wait3A_38] : memref<8192x4096xf32, #tpu.memory_space<hbm>> -> memref<4x4096xf32, #tpu.memory_space<hbm>>
      tpu.wait_dma2 semaphore(%arg9 : memref<!tpu.dma_semaphore, #tpu.memory_space<semaphore_mem>>) src(%dma_wait3A_39 : memref<4x4096xf32, #tpu.memory_space<hbm>>) dst(%arg5 : memref<4x4096xf32, #tpu.memory_space<vmem>>)
      %scan3A_40 = arith.constant 0 : i32
      %scan3A_41 = arith.constant 32 : i32
      %scan3A_42 = arith.addi %scan3A_40, %scan3A_41 : i32
      %scan3A_43 = arith.constant 1 : i32
      %scan3A_44:2 = scf.for %scan3A_60 = %scan3A_40 to %scan3A_42 step %scan3A_43 iter_args(%scan3A_61 = %scan3A_22, %scan3A_62 = %scan3A_23) -> (vector<16xf32>, vector<16xf32>)  : i32 {
        %mul3A_63 = arith.constant 128 : i32
        %mul3A_64 = arith.muli %scan3A_60, %mul3A_63 : i32
        %add3A_65 = arith.constant 0 : i32
        %add3A_66 = arith.addi %mul3A_64, %add3A_65 : i32
        %get3A = arith.constant 0 : i32
        %get3A_67 = arith.index_cast %get3A : i32 to index
        %get3A_68 = arith.index_cast %add3A_66 : i32 to index
        %get3A_69 = tpu.vector_load %arg5[%get3A_67, %get3A_68] {strides = array<i32>} : memref<4x4096xf32, #tpu.memory_space<vmem>>, vector<1x16xf32>,
        %get3A_70 = vector.shape_cast %get3A_69 : vector<1x16xf32> to vector<16xf32>
        %add3A_71 = arith.addf %scan3A_61, %get3A_70 : vector<16xf32>
        %mul3A_72 = arith.mulf %get3A_70, %get3A_70 : vector<16xf32>
        %add3A_73 = arith.addf %scan3A_62, %mul3A_72 : vector<16xf32>
        %add3A_74 = arith.constant 16 : i32
        %add3A_75 = arith.addi %mul3A_64, %add3A_74 : i32
        %get3A_76 = arith.constant 0 : i32
        %get3A_77 = arith.index_cast %get3A_76 : i32 to index
        %get3A_78 = arith.index_cast %add3A_75 : i32 to index
        %get3A_79 = tpu.vector_load %arg5[%get3A_77, %get3A_78] {strides = array<i32>} : memref<4x4096xf32, #tpu.memory_space<vmem>>, vector<1x16xf32>,
        %get3A_80 = vector.shape_cast %get3A_79 : vector<1x16xf32> to vector<16xf32>
        %add3A_81 = arith.addf %add3A_71, %get3A_80 : vector<16xf32>
        %mul3A_82 = arith.mulf %get3A_80, %get3A_80 : vector<16xf32>
        %add3A_83 = arith.addf %add3A_73, %mul3A_82 : vector<16xf32>
        %add3A_84 = arith.constant 32 : i32
        %add3A_85 = arith.addi %mul3A_64, %add3A_84 : i32
        %get3A_86 = arith.constant 0 : i32
        %get3A_87 = arith.index_cast %get3A_86 : i32 to index
        %get3A_88 = arith.index_cast %add3A_85 : i32 to index
        %get3A_89 = tpu.vector_load %arg5[%get3A_87, %get3A_88] {strides = array<i32>} : memref<4x4096xf32, #tpu.memory_space<vmem>>, vector<1x16xf32>,
        %get3A_90 = vector.shape_cast %get3A_89 : vector<1x16xf32> to vector<16xf32>
        %add3A_91 = arith.addf %add3A_81, %get3A_90 : vector<16xf32>
        %mul3A_92 = arith.mulf %get3A_90, %get3A_90 : vector<16xf32>
        %add3A_93 = arith.addf %add3A_83, %mul3A_92 : vector<16xf32>
        %add3A_94 = arith.constant 48 : i32
        %add3A_95 = arith.addi %mul3A_64, %add3A_94 : i32
        %get3A_96 = arith.constant 0 : i32
        %get3A_97 = arith.index_cast %get3A_96 : i32 to index
        %get3A_98 = arith.index_cast %add3A_95 : i32 to index
        %get3A_99 = tpu.vector_load %arg5[%get3A_97, %get3A_98] {strides = array<i32>} : memref<4x4096xf32, #tpu.memory_space<vmem>>, vector<1x16xf32>,
        %get3A_100 = vector.shape_cast %get3A_99 : vector<1x16xf32> to vector<16xf32>
        %add3A_101 = arith.addf %add3A_91, %get3A_100 : vector<16xf32>
        %mul3A_102 = arith.mulf %get3A_100, %get3A_100 : vector<16xf32>
        %add3A_103 = arith.addf %add3A_93, %mul3A_102 : vector<16xf32>
        %add3A_104 = arith.constant 64 : i32
        %add3A_105 = arith.addi %mul3A_64, %add3A_104 : i32
        %get3A_106 = arith.constant 0 : i32
        %get3A_107 = arith.index_cast %get3A_106 : i32 to index
        %get3A_108 = arith.index_cast %add3A_105 : i32 to index
        %get3A_109 = tpu.vector_load %arg5[%get3A_107, %get3A_108] {strides = array<i32>} : memref<4x4096xf32, #tpu.memory_space<vmem>>, vector<1x16xf32>,
        %get3A_110 = vector.shape_cast %get3A_109 : vector<1x16xf32> to vector<16xf32>
        %add3A_111 = arith.addf %add3A_101, %get3A_110 : vector<16xf32>
        %mul3A_112 = arith.mulf %get3A_110, %get3A_110 : vector<16xf32>
        %add3A_113 = arith.addf %add3A_103, %mul3A_112 : vector<16xf32>
        %add3A_114 = arith.constant 80 : i32
        %add3A_115 = arith.addi %mul3A_64, %add3A_114 : i32
        %get3A_116 = arith.constant 0 : i32
        %get3A_117 = arith.index_cast %get3A_116 : i32 to index
        %get3A_118 = arith.index_cast %add3A_115 : i32 to index
        %get3A_119 = tpu.vector_load %arg5[%get3A_117, %get3A_118] {strides = array<i32>} : memref<4x4096xf32, #tpu.memory_space<vmem>>, vector<1x16xf32>,
        %get3A_120 = vector.shape_cast %get3A_119 : vector<1x16xf32> to vector<16xf32>
        %add3A_121 = arith.addf %add3A_111, %get3A_120 : vector<16xf32>
        %mul3A_122 = arith.mulf %get3A_120, %get3A_120 : vector<16xf32>
        %add3A_123 = arith.addf %add3A_113, %mul3A_122 : vector<16xf32>
        %add3A_124 = arith.constant 96 : i32
        %add3A_125 = arith.addi %mul3A_64, %add3A_124 : i32
        %get3A_126 = arith.constant 0 : i32
        %get3A_127 = arith.index_cast %get3A_126 : i32 to index
        %get3A_128 = arith.index_cast %add3A_125 : i32 to index
        %get3A_129 = tpu.vector_load %arg5[%get3A_127, %get3A_128] {strides = array<i32>} : memref<4x4096xf32, #tpu.memory_space<vmem>>, vector<1x16xf32>,
        %get3A_130 = vector.shape_cast %get3A_129 : vector<1x16xf32> to vector<16xf32>
        %add3A_131 = arith.addf %add3A_121, %get3A_130 : vector<16xf32>
        %mul3A_132 = arith.mulf %get3A_130, %get3A_130 : vector<16xf32>
        %add3A_133 = arith.addf %add3A_123, %mul3A_132 : vector<16xf32>
        %add3A_134 = arith.constant 112 : i32
        %add3A_135 = arith.addi %mul3A_64, %add3A_134 : i32
        %get3A_136 = arith.constant 0 : i32
        %get3A_137 = arith.index_cast %get3A_136 : i32 to index
        %get3A_138 = arith.index_cast %add3A_135 : i32 to index
        %get3A_139 = tpu.vector_load %arg5[%get3A_137, %get3A_138] {strides = array<i32>} : memref<4x4096xf32, #tpu.memory_space<vmem>>, vector<1x16xf32>,
        %get3A_140 = vector.shape_cast %get3A_139 : vector<1x16xf32> to vector<16xf32>
        %add3A_141 = arith.addf %add3A_131, %get3A_140 : vector<16xf32>
        %mul3A_142 = arith.mulf %get3A_140, %get3A_140 : vector<16xf32>
        %add3A_143 = arith.addf %add3A_133, %mul3A_142 : vector<16xf32>
        %add3A_144 = arith.constant 0 : i32
        %add3A_145 = arith.addi %mul3A_64, %add3A_144 : i32
        %get3A_146 = arith.constant 1 : i32
        %get3A_147 = arith.index_cast %get3A_146 : i32 to index
        %get3A_148 = arith.index_cast %add3A_145 : i32 to index
        %get3A_149 = tpu.vector_load %arg5[%get3A_147, %get3A_148] {strides = array<i32>} : memref<4x4096xf32, #tpu.memory_space<vmem>>, vector<1x16xf32>,
        %get3A_150 = vector.shape_cast %get3A_149 : vector<1x16xf32> to vector<16xf32>
        %add3A_151 = arith.addf %add3A_141, %get3A_150 : vector<16xf32>
        %mul3A_152 = arith.mulf %get3A_150, %get3A_150 : vector<16xf32>
        %add3A_153 = arith.addf %add3A_143, %mul3A_152 : vector<16xf32>
        %add3A_154 = arith.constant 16 : i32
        %add3A_155 = arith.addi %mul3A_64, %add3A_154 : i32
        %get3A_156 = arith.constant 1 : i32
        %get3A_157 = arith.index_cast %get3A_156 : i32 to index
        %get3A_158 = arith.index_cast %add3A_155 : i32 to index
        %get3A_159 = tpu.vector_load %arg5[%get3A_157, %get3A_158] {strides = array<i32>} : memref<4x4096xf32, #tpu.memory_space<vmem>>, vector<1x16xf32>,
        %get3A_160 = vector.shape_cast %get3A_159 : vector<1x16xf32> to vector<16xf32>
        %add3A_161 = arith.addf %add3A_151, %get3A_160 : vector<16xf32>
        %mul3A_162 = arith.mulf %get3A_160, %get3A_160 : vector<16xf32>
        %add3A_163 = arith.addf %add3A_153, %mul3A_162 : vector<16xf32>
        %add3A_164 = arith.constant 32 : i32
        %add3A_165 = arith.addi %mul3A_64, %add3A_164 : i32
        %get3A_166 = arith.constant 1 : i32
        %get3A_167 = arith.index_cast %get3A_166 : i32 to index
        %get3A_168 = arith.index_cast %add3A_165 : i32 to index
        %get3A_169 = tpu.vector_load %arg5[%get3A_167, %get3A_168] {strides = array<i32>} : memref<4x4096xf32, #tpu.memory_space<vmem>>, vector<1x16xf32>,
        %get3A_170 = vector.shape_cast %get3A_169 : vector<1x16xf32> to vector<16xf32>
        %add3A_171 = arith.addf %add3A_161, %get3A_170 : vector<16xf32>
        %mul3A_172 = arith.mulf %get3A_170, %get3A_170 : vector<16xf32>
        %add3A_173 = arith.addf %add3A_163, %mul3A_172 : vector<16xf32>
        %add3A_174 = arith.constant 48 : i32
        %add3A_175 = arith.addi %mul3A_64, %add3A_174 : i32
        %get3A_176 = arith.constant 1 : i32
        %get3A_177 = arith.index_cast %get3A_176 : i32 to index
        %get3A_178 = arith.index_cast %add3A_175 : i32 to index
        %get3A_179 = tpu.vector_load %arg5[%get3A_177, %get3A_178] {strides = array<i32>} : memref<4x4096xf32, #tpu.memory_space<vmem>>, vector<1x16xf32>,
        %get3A_180 = vector.shape_cast %get3A_179 : vector<1x16xf32> to vector<16xf32>
        %add3A_181 = arith.addf %add3A_171, %get3A_180 : vector<16xf32>
        %mul3A_182 = arith.mulf %get3A_180, %get3A_180 : vector<16xf32>
        %add3A_183 = arith.addf %add3A_173, %mul3A_182 : vector<16xf32>
        %add3A_184 = arith.constant 64 : i32
        %add3A_185 = arith.addi %mul3A_64, %add3A_184 : i32
        %get3A_186 = arith.constant 1 : i32
        %get3A_187 = arith.index_cast %get3A_186 : i32 to index
        %get3A_188 = arith.index_cast %add3A_185 : i32 to index
        %get3A_189 = tpu.vector_load %arg5[%get3A_187, %get3A_188] {strides = array<i32>} : memref<4x4096xf32, #tpu.memory_space<vmem>>, vector<1x16xf32>,
        %get3A_190 = vector.shape_cast %get3A_189 : vector<1x16xf32> to vector<16xf32>
        %add3A_191 = arith.addf %add3A_181, %get3A_190 : vector<16xf32>
        %mul3A_192 = arith.mulf %get3A_190, %get3A_190 : vector<16xf32>
        %add3A_193 = arith.addf %add3A_183, %mul3A_192 : vector<16xf32>
        %add3A_194 = arith.constant 80 : i32
        %add3A_195 = arith.addi %mul3A_64, %add3A_194 : i32
        %get3A_196 = arith.constant 1 : i32
        %get3A_197 = arith.index_cast %get3A_196 : i32 to index
        %get3A_198 = arith.index_cast %add3A_195 : i32 to index
        %get3A_199 = tpu.vector_load %arg5[%get3A_197, %get3A_198] {strides = array<i32>} : memref<4x4096xf32, #tpu.memory_space<vmem>>, vector<1x16xf32>,
        %get3A_200 = vector.shape_cast %get3A_199 : vector<1x16xf32> to vector<16xf32>
        %add3A_201 = arith.addf %add3A_191, %get3A_200 : vector<16xf32>
        %mul3A_202 = arith.mulf %get3A_200, %get3A_200 : vector<16xf32>
        %add3A_203 = arith.addf %add3A_193, %mul3A_202 : vector<16xf32>
        %add3A_204 = arith.constant 96 : i32
        %add3A_205 = arith.addi %mul3A_64, %add3A_204 : i32
        %get3A_206 = arith.constant 1 : i32
        %get3A_207 = arith.index_cast %get3A_206 : i32 to index
        %get3A_208 = arith.index_cast %add3A_205 : i32 to index
        %get3A_209 = tpu.vector_load %arg5[%get3A_207, %get3A_208] {strides = array<i32>} : memref<4x4096xf32, #tpu.memory_space<vmem>>, vector<1x16xf32>,
        %get3A_210 = vector.shape_cast %get3A_209 : vector<1x16xf32> to vector<16xf32>
        %add3A_211 = arith.addf %add3A_201, %get3A_210 : vector<16xf32>
        %mul3A_212 = arith.mulf %get3A_210, %get3A_210 : vector<16xf32>
        %add3A_213 = arith.addf %add3A_203, %mul3A_212 : vector<16xf32>
        %add3A_214 = arith.constant 112 : i32
        %add3A_215 = arith.addi %mul3A_64, %add3A_214 : i32
        %get3A_216 = arith.constant 1 : i32
        %get3A_217 = arith.index_cast %get3A_216 : i32 to index
        %get3A_218 = arith.index_cast %add3A_215 : i32 to index
        %get3A_219 = tpu.vector_load %arg5[%get3A_217, %get3A_218] {strides = array<i32>} : memref<4x4096xf32, #tpu.memory_space<vmem>>, vector<1x16xf32>,
        %get3A_220 = vector.shape_cast %get3A_219 : vector<1x16xf32> to vector<16xf32>
        %add3A_221 = arith.addf %add3A_211, %get3A_220 : vector<16xf32>
        %mul3A_222 = arith.mulf %get3A_220, %get3A_220 : vector<16xf32>
        %add3A_223 = arith.addf %add3A_213, %mul3A_222 : vector<16xf32>
        %add3A_224 = arith.constant 0 : i32
        %add3A_225 = arith.addi %mul3A_64, %add3A_224 : i32
        %get3A_226 = arith.constant 2 : i32
        %get3A_227 = arith.index_cast %get3A_226 : i32 to index
        %get3A_228 = arith.index_cast %add3A_225 : i32 to index
        %get3A_229 = tpu.vector_load %arg5[%get3A_227, %get3A_228] {strides = array<i32>} : memref<4x4096xf32, #tpu.memory_space<vmem>>, vector<1x16xf32>,
        %get3A_230 = vector.shape_cast %get3A_229 : vector<1x16xf32> to vector<16xf32>
        %add3A_231 = arith.addf %add3A_221, %get3A_230 : vector<16xf32>
        %mul3A_232 = arith.mulf %get3A_230, %get3A_230 : vector<16xf32>
        %add3A_233 = arith.addf %add3A_223, %mul3A_232 : vector<16xf32>
        %add3A_234 = arith.constant 16 : i32
        %add3A_235 = arith.addi %mul3A_64, %add3A_234 : i32
        %get3A_236 = arith.constant 2 : i32
        %get3A_237 = arith.index_cast %get3A_236 : i32 to index
        %get3A_238 = arith.index_cast %add3A_235 : i32 to index
        %get3A_239 = tpu.vector_load %arg5[%get3A_237, %get3A_238] {strides = array<i32>} : memref<4x4096xf32, #tpu.memory_space<vmem>>, vector<1x16xf32>,
        %get3A_240 = vector.shape_cast %get3A_239 : vector<1x16xf32> to vector<16xf32>
        %add3A_241 = arith.addf %add3A_231, %get3A_240 : vector<16xf32>
        %mul3A_242 = arith.mulf %get3A_240, %get3A_240 : vector<16xf32>
        %add3A_243 = arith.addf %add3A_233, %mul3A_242 : vector<16xf32>
        %add3A_244 = arith.constant 32 : i32
        %add3A_245 = arith.addi %mul3A_64, %add3A_244 : i32
        %get3A_246 = arith.constant 2 : i32
        %get3A_247 = arith.index_cast %get3A_246 : i32 to index
        %get3A_248 = arith.index_cast %add3A_245 : i32 to index
        %get3A_249 = tpu.vector_load %arg5[%get3A_247, %get3A_248] {strides = array<i32>} : memref<4x4096xf32, #tpu.memory_space<vmem>>, vector<1x16xf32>,
        %get3A_250 = vector.shape_cast %get3A_249 : vector<1x16xf32> to vector<16xf32>
        %add3A_251 = arith.addf %add3A_241, %get3A_250 : vector<16xf32>
        %mul3A_252 = arith.mulf %get3A_250, %get3A_250 : vector<16xf32>
        %add3A_253 = arith.addf %add3A_243, %mul3A_252 : vector<16xf32>
        %add3A_254 = arith.constant 48 : i32
        %add3A_255 = arith.addi %mul3A_64, %add3A_254 : i32
        %get3A_256 = arith.constant 2 : i32
        %get3A_257 = arith.index_cast %get3A_256 : i32 to index
        %get3A_258 = arith.index_cast %add3A_255 : i32 to index
        %get3A_259 = tpu.vector_load %arg5[%get3A_257, %get3A_258] {strides = array<i32>} : memref<4x4096xf32, #tpu.memory_space<vmem>>, vector<1x16xf32>,
        %get3A_260 = vector.shape_cast %get3A_259 : vector<1x16xf32> to vector<16xf32>
        %add3A_261 = arith.addf %add3A_251, %get3A_260 : vector<16xf32>
        %mul3A_262 = arith.mulf %get3A_260, %get3A_260 : vector<16xf32>
        %add3A_263 = arith.addf %add3A_253, %mul3A_262 : vector<16xf32>
        %add3A_264 = arith.constant 64 : i32
        %add3A_265 = arith.addi %mul3A_64, %add3A_264 : i32
        %get3A_266 = arith.constant 2 : i32
        %get3A_267 = arith.index_cast %get3A_266 : i32 to index
        %get3A_268 = arith.index_cast %add3A_265 : i32 to index
        %get3A_269 = tpu.vector_load %arg5[%get3A_267, %get3A_268] {strides = array<i32>} : memref<4x4096xf32, #tpu.memory_space<vmem>>, vector<1x16xf32>,
        %get3A_270 = vector.shape_cast %get3A_269 : vector<1x16xf32> to vector<16xf32>
        %add3A_271 = arith.addf %add3A_261, %get3A_270 : vector<16xf32>
        %mul3A_272 = arith.mulf %get3A_270, %get3A_270 : vector<16xf32>
        %add3A_273 = arith.addf %add3A_263, %mul3A_272 : vector<16xf32>
        %add3A_274 = arith.constant 80 : i32
        %add3A_275 = arith.addi %mul3A_64, %add3A_274 : i32
        %get3A_276 = arith.constant 2 : i32
        %get3A_277 = arith.index_cast %get3A_276 : i32 to index
        %get3A_278 = arith.index_cast %add3A_275 : i32 to index
        %get3A_279 = tpu.vector_load %arg5[%get3A_277, %get3A_278] {strides = array<i32>} : memref<4x4096xf32, #tpu.memory_space<vmem>>, vector<1x16xf32>,
        %get3A_280 = vector.shape_cast %get3A_279 : vector<1x16xf32> to vector<16xf32>
        %add3A_281 = arith.addf %add3A_271, %get3A_280 : vector<16xf32>
        %mul3A_282 = arith.mulf %get3A_280, %get3A_280 : vector<16xf32>
        %add3A_283 = arith.addf %add3A_273, %mul3A_282 : vector<16xf32>
        %add3A_284 = arith.constant 96 : i32
        %add3A_285 = arith.addi %mul3A_64, %add3A_284 : i32
        %get3A_286 = arith.constant 2 : i32
        %get3A_287 = arith.index_cast %get3A_286 : i32 to index
        %get3A_288 = arith.index_cast %add3A_285 : i32 to index
        %get3A_289 = tpu.vector_load %arg5[%get3A_287, %get3A_288] {strides = array<i32>} : memref<4x4096xf32, #tpu.memory_space<vmem>>, vector<1x16xf32>,
        %get3A_290 = vector.shape_cast %get3A_289 : vector<1x16xf32> to vector<16xf32>
        %add3A_291 = arith.addf %add3A_281, %get3A_290 : vector<16xf32>
        %mul3A_292 = arith.mulf %get3A_290, %get3A_290 : vector<16xf32>
        %add3A_293 = arith.addf %add3A_283, %mul3A_292 : vector<16xf32>
        %add3A_294 = arith.constant 112 : i32
        %add3A_295 = arith.addi %mul3A_64, %add3A_294 : i32
        %get3A_296 = arith.constant 2 : i32
        %get3A_297 = arith.index_cast %get3A_296 : i32 to index
        %get3A_298 = arith.index_cast %add3A_295 : i32 to index
        %get3A_299 = tpu.vector_load %arg5[%get3A_297, %get3A_298] {strides = array<i32>} : memref<4x4096xf32, #tpu.memory_space<vmem>>, vector<1x16xf32>,
        %get3A_300 = vector.shape_cast %get3A_299 : vector<1x16xf32> to vector<16xf32>
        %add3A_301 = arith.addf %add3A_291, %get3A_300 : vector<16xf32>
        %mul3A_302 = arith.mulf %get3A_300, %get3A_300 : vector<16xf32>
        %add3A_303 = arith.addf %add3A_293, %mul3A_302 : vector<16xf32>
        %add3A_304 = arith.constant 0 : i32
        %add3A_305 = arith.addi %mul3A_64, %add3A_304 : i32
        %get3A_306 = arith.constant 3 : i32
        %get3A_307 = arith.index_cast %get3A_306 : i32 to index
        %get3A_308 = arith.index_cast %add3A_305 : i32 to index
        %get3A_309 = tpu.vector_load %arg5[%get3A_307, %get3A_308] {strides = array<i32>} : memref<4x4096xf32, #tpu.memory_space<vmem>>, vector<1x16xf32>,
        %get3A_310 = vector.shape_cast %get3A_309 : vector<1x16xf32> to vector<16xf32>
        %add3A_311 = arith.addf %add3A_301, %get3A_310 : vector<16xf32>
        %mul3A_312 = arith.mulf %get3A_310, %get3A_310 : vector<16xf32>
        %add3A_313 = arith.addf %add3A_303, %mul3A_312 : vector<16xf32>
        %add3A_314 = arith.constant 16 : i32
        %add3A_315 = arith.addi %mul3A_64, %add3A_314 : i32
        %get3A_316 = arith.constant 3 : i32
        %get3A_317 = arith.index_cast %get3A_316 : i32 to index
        %get3A_318 = arith.index_cast %add3A_315 : i32 to index
        %get3A_319 = tpu.vector_load %arg5[%get3A_317, %get3A_318] {strides = array<i32>} : memref<4x4096xf32, #tpu.memory_space<vmem>>, vector<1x16xf32>,
        %get3A_320 = vector.shape_cast %get3A_319 : vector<1x16xf32> to vector<16xf32>
        %add3A_321 = arith.addf %add3A_311, %get3A_320 : vector<16xf32>
        %mul3A_322 = arith.mulf %get3A_320, %get3A_320 : vector<16xf32>
        %add3A_323 = arith.addf %add3A_313, %mul3A_322 : vector<16xf32>
        %add3A_324 = arith.constant 32 : i32
        %add3A_325 = arith.addi %mul3A_64, %add3A_324 : i32
        %get3A_326 = arith.constant 3 : i32
        %get3A_327 = arith.index_cast %get3A_326 : i32 to index
        %get3A_328 = arith.index_cast %add3A_325 : i32 to index
        %get3A_329 = tpu.vector_load %arg5[%get3A_327, %get3A_328] {strides = array<i32>} : memref<4x4096xf32, #tpu.memory_space<vmem>>, vector<1x16xf32>,
        %get3A_330 = vector.shape_cast %get3A_329 : vector<1x16xf32> to vector<16xf32>
        %add3A_331 = arith.addf %add3A_321, %get3A_330 : vector<16xf32>
        %mul3A_332 = arith.mulf %get3A_330, %get3A_330 : vector<16xf32>
        %add3A_333 = arith.addf %add3A_323, %mul3A_332 : vector<16xf32>
        %add3A_334 = arith.constant 48 : i32
        %add3A_335 = arith.addi %mul3A_64, %add3A_334 : i32
        %get3A_336 = arith.constant 3 : i32
        %get3A_337 = arith.index_cast %get3A_336 : i32 to index
        %get3A_338 = arith.index_cast %add3A_335 : i32 to index
        %get3A_339 = tpu.vector_load %arg5[%get3A_337, %get3A_338] {strides = array<i32>} : memref<4x4096xf32, #tpu.memory_space<vmem>>, vector<1x16xf32>,
        %get3A_340 = vector.shape_cast %get3A_339 : vector<1x16xf32> to vector<16xf32>
        %add3A_341 = arith.addf %add3A_331, %get3A_340 : vector<16xf32>
        %mul3A_342 = arith.mulf %get3A_340, %get3A_340 : vector<16xf32>
        %add3A_343 = arith.addf %add3A_333, %mul3A_342 : vector<16xf32>
        %add3A_344 = arith.constant 64 : i32
        %add3A_345 = arith.addi %mul3A_64, %add3A_344 : i32
        %get3A_346 = arith.constant 3 : i32
        %get3A_347 = arith.index_cast %get3A_346 : i32 to index
        %get3A_348 = arith.index_cast %add3A_345 : i32 to index
        %get3A_349 = tpu.vector_load %arg5[%get3A_347, %get3A_348] {strides = array<i32>} : memref<4x4096xf32, #tpu.memory_space<vmem>>, vector<1x16xf32>,
        %get3A_350 = vector.shape_cast %get3A_349 : vector<1x16xf32> to vector<16xf32>
        %add3A_351 = arith.addf %add3A_341, %get3A_350 : vector<16xf32>
        %mul3A_352 = arith.mulf %get3A_350, %get3A_350 : vector<16xf32>
        %add3A_353 = arith.addf %add3A_343, %mul3A_352 : vector<16xf32>
        %add3A_354 = arith.constant 80 : i32
        %add3A_355 = arith.addi %mul3A_64, %add3A_354 : i32
        %get3A_356 = arith.constant 3 : i32
        %get3A_357 = arith.index_cast %get3A_356 : i32 to index
        %get3A_358 = arith.index_cast %add3A_355 : i32 to index
        %get3A_359 = tpu.vector_load %arg5[%get3A_357, %get3A_358] {strides = array<i32>} : memref<4x4096xf32, #tpu.memory_space<vmem>>, vector<1x16xf32>,
        %get3A_360 = vector.shape_cast %get3A_359 : vector<1x16xf32> to vector<16xf32>
        %add3A_361 = arith.addf %add3A_351, %get3A_360 : vector<16xf32>
        %mul3A_362 = arith.mulf %get3A_360, %get3A_360 : vector<16xf32>
        %add3A_363 = arith.addf %add3A_353, %mul3A_362 : vector<16xf32>
        %add3A_364 = arith.constant 96 : i32
        %add3A_365 = arith.addi %mul3A_64, %add3A_364 : i32
        %get3A_366 = arith.constant 3 : i32
        %get3A_367 = arith.index_cast %get3A_366 : i32 to index
        %get3A_368 = arith.index_cast %add3A_365 : i32 to index
        %get3A_369 = tpu.vector_load %arg5[%get3A_367, %get3A_368] {strides = array<i32>} : memref<4x4096xf32, #tpu.memory_space<vmem>>, vector<1x16xf32>,
        %get3A_370 = vector.shape_cast %get3A_369 : vector<1x16xf32> to vector<16xf32>
        %add3A_371 = arith.addf %add3A_361, %get3A_370 : vector<16xf32>
        %mul3A_372 = arith.mulf %get3A_370, %get3A_370 : vector<16xf32>
        %add3A_373 = arith.addf %add3A_363, %mul3A_372 : vector<16xf32>
        %add3A_374 = arith.constant 112 : i32
        %add3A_375 = arith.addi %mul3A_64, %add3A_374 : i32
        %get3A_376 = arith.constant 3 : i32
        %get3A_377 = arith.index_cast %get3A_376 : i32 to index
        %get3A_378 = arith.index_cast %add3A_375 : i32 to index
        %get3A_379 = tpu.vector_load %arg5[%get3A_377, %get3A_378] {strides = array<i32>} : memref<4x4096xf32, #tpu.memory_space<vmem>>, vector<1x16xf32>,
        %get3A_380 = vector.shape_cast %get3A_379 : vector<1x16xf32> to vector<16xf32>
        %add3A_381 = arith.addf %add3A_371, %get3A_380 : vector<16xf32>
        %mul3A_382 = arith.mulf %get3A_380, %get3A_380 : vector<16xf32>
        %add3A_383 = arith.addf %add3A_373, %mul3A_382 : vector<16xf32>
        scf.yield %add3A_381, %add3A_383 : vector<16xf32>, vector<16xf32>
      }
      %scan3A_45 = arith.constant 32 : i32
      %lt3A = arith.constant 3 : i32
      %lt3A_46 = arith.cmpi slt, %scan3A_21, %lt3A : i32
      %convert_element_type3A = arith.extui %lt3A_46 : i1 to i32
      %cond3A = arith.constant 0 : i32
      %cond3A_47 = arith.cmpi ne, %convert_element_type3A, %cond3A : i32
      scf.if %cond3A_47 {
        %add3A_60 = arith.constant 8 : i32
        %add3A_61 = arith.addi %add3A_28, %add3A_60 : i32
        %dma_start3A_62 = arith.constant 0 : i32
        %dma_start3A_63 = tpu.memref_slice %arg2[%add3A_61, %dma_start3A_62] : memref<8192x4096xf32, #tpu.memory_space<hbm>> -> memref<4x4096xf32, #tpu.memory_space<hbm>>
        %dma_start3A_64 = arith.constant 0 : i32
        %dma_start3A_65 = tpu.memref_slice %arg2[%add3A_61, %dma_start3A_64] : memref<8192x4096xf32, #tpu.memory_space<hbm>> -> memref<4x4096xf32, #tpu.memory_space<hbm>>
        tpu.enqueue_dma source(%dma_start3A_65 : memref<4x4096xf32, #tpu.memory_space<hbm>>) target(%arg5 : memref<4x4096xf32, #tpu.memory_space<vmem>>) target_semaphore(%arg9 : memref<!tpu.dma_semaphore, #tpu.memory_space<semaphore_mem>>)
      } else {
      }
      %dma_wait3A_48 = arith.constant 0 : i32
      %dma_wait3A_49 = arith.constant 0 : i32
      %dma_wait3A_50 = tpu.memref_slice %arg2[%dma_wait3A_48, %dma_wait3A_49] : memref<8192x4096xf32, #tpu.memory_space<hbm>> -> memref<4x4096xf32, #tpu.memory_space<hbm>>
      %dma_wait3A_51 = arith.constant 0 : i32
      %dma_wait3A_52 = arith.constant 0 : i32
      %dma_wait3A_53 = tpu.memref_slice %arg2[%dma_wait3A_51, %dma_wait3A_52] : memref<8192x4096xf32, #tpu.memory_space<hbm>> -> memref<4x4096xf32, #tpu.memory_space<hbm>>
      tpu.wait_dma2 semaphore(%arg10 : memref<!tpu.dma_semaphore, #tpu.memory_space<semaphore_mem>>) src(%dma_wait3A_53 : memref<4x4096xf32, #tpu.memory_space<hbm>>) dst(%arg6 : memref<4x4096xf32, #tpu.memory_space<vmem>>)
      %scan3A_54 = arith.constant 0 : i32
      %scan3A_55 = arith.constant 32 : i32
      %scan3A_56 = arith.addi %scan3A_54, %scan3A_55 : i32
      %scan3A_57 = arith.constant 1 : i32
      %scan3A_58:2 = scf.for %scan3A_60 = %scan3A_54 to %scan3A_56 step %scan3A_57 iter_args(%scan3A_61 = %scan3A_44#0, %scan3A_62 = %scan3A_44#1) -> (vector<16xf32>, vector<16xf32>)  : i32 {
        %mul3A_63 = arith.constant 128 : i32
        %mul3A_64 = arith.muli %scan3A_60, %mul3A_63 : i32
        %add3A_65 = arith.constant 0 : i32
        %add3A_66 = arith.addi %mul3A_64, %add3A_65 : i32
        %get3A = arith.constant 0 : i32
        %get3A_67 = arith.index_cast %get3A : i32 to index
        %get3A_68 = arith.index_cast %add3A_66 : i32 to index
        %get3A_69 = tpu.vector_load %arg6[%get3A_67, %get3A_68] {strides = array<i32>} : memref<4x4096xf32, #tpu.memory_space<vmem>>, vector<1x16xf32>,
        %get3A_70 = vector.shape_cast %get3A_69 : vector<1x16xf32> to vector<16xf32>
        %add3A_71 = arith.addf %scan3A_61, %get3A_70 : vector<16xf32>
        %mul3A_72 = arith.mulf %get3A_70, %get3A_70 : vector<16xf32>
        %add3A_73 = arith.addf %scan3A_62, %mul3A_72 : vector<16xf32>
        %add3A_74 = arith.constant 16 : i32
        %add3A_75 = arith.addi %mul3A_64, %add3A_74 : i32
        %get3A_76 = arith.constant 0 : i32
        %get3A_77 = arith.index_cast %get3A_76 : i32 to index
        %get3A_78 = arith.index_cast %add3A_75 : i32 to index
        %get3A_79 = tpu.vector_load %arg6[%get3A_77, %get3A_78] {strides = array<i32>} : memref<4x4096xf32, #tpu.memory_space<vmem>>, vector<1x16xf32>,
        %get3A_80 = vector.shape_cast %get3A_79 : vector<1x16xf32> to vector<16xf32>
        %add3A_81 = arith.addf %add3A_71, %get3A_80 : vector<16xf32>
        %mul3A_82 = arith.mulf %get3A_80, %get3A_80 : vector<16xf32>
        %add3A_83 = arith.addf %add3A_73, %mul3A_82 : vector<16xf32>
        %add3A_84 = arith.constant 32 : i32
        %add3A_85 = arith.addi %mul3A_64, %add3A_84 : i32
        %get3A_86 = arith.constant 0 : i32
        %get3A_87 = arith.index_cast %get3A_86 : i32 to index
        %get3A_88 = arith.index_cast %add3A_85 : i32 to index
        %get3A_89 = tpu.vector_load %arg6[%get3A_87, %get3A_88] {strides = array<i32>} : memref<4x4096xf32, #tpu.memory_space<vmem>>, vector<1x16xf32>,
        %get3A_90 = vector.shape_cast %get3A_89 : vector<1x16xf32> to vector<16xf32>
        %add3A_91 = arith.addf %add3A_81, %get3A_90 : vector<16xf32>
        %mul3A_92 = arith.mulf %get3A_90, %get3A_90 : vector<16xf32>
        %add3A_93 = arith.addf %add3A_83, %mul3A_92 : vector<16xf32>
        %add3A_94 = arith.constant 48 : i32
        %add3A_95 = arith.addi %mul3A_64, %add3A_94 : i32
        %get3A_96 = arith.constant 0 : i32
        %get3A_97 = arith.index_cast %get3A_96 : i32 to index
        %get3A_98 = arith.index_cast %add3A_95 : i32 to index
        %get3A_99 = tpu.vector_load %arg6[%get3A_97, %get3A_98] {strides = array<i32>} : memref<4x4096xf32, #tpu.memory_space<vmem>>, vector<1x16xf32>,
        %get3A_100 = vector.shape_cast %get3A_99 : vector<1x16xf32> to vector<16xf32>
        %add3A_101 = arith.addf %add3A_91, %get3A_100 : vector<16xf32>
        %mul3A_102 = arith.mulf %get3A_100, %get3A_100 : vector<16xf32>
        %add3A_103 = arith.addf %add3A_93, %mul3A_102 : vector<16xf32>
        %add3A_104 = arith.constant 64 : i32
        %add3A_105 = arith.addi %mul3A_64, %add3A_104 : i32
        %get3A_106 = arith.constant 0 : i32
        %get3A_107 = arith.index_cast %get3A_106 : i32 to index
        %get3A_108 = arith.index_cast %add3A_105 : i32 to index
        %get3A_109 = tpu.vector_load %arg6[%get3A_107, %get3A_108] {strides = array<i32>} : memref<4x4096xf32, #tpu.memory_space<vmem>>, vector<1x16xf32>,
        %get3A_110 = vector.shape_cast %get3A_109 : vector<1x16xf32> to vector<16xf32>
        %add3A_111 = arith.addf %add3A_101, %get3A_110 : vector<16xf32>
        %mul3A_112 = arith.mulf %get3A_110, %get3A_110 : vector<16xf32>
        %add3A_113 = arith.addf %add3A_103, %mul3A_112 : vector<16xf32>
        %add3A_114 = arith.constant 80 : i32
        %add3A_115 = arith.addi %mul3A_64, %add3A_114 : i32
        %get3A_116 = arith.constant 0 : i32
        %get3A_117 = arith.index_cast %get3A_116 : i32 to index
        %get3A_118 = arith.index_cast %add3A_115 : i32 to index
        %get3A_119 = tpu.vector_load %arg6[%get3A_117, %get3A_118] {strides = array<i32>} : memref<4x4096xf32, #tpu.memory_space<vmem>>, vector<1x16xf32>,
        %get3A_120 = vector.shape_cast %get3A_119 : vector<1x16xf32> to vector<16xf32>
        %add3A_121 = arith.addf %add3A_111, %get3A_120 : vector<16xf32>
        %mul3A_122 = arith.mulf %get3A_120, %get3A_120 : vector<16xf32>
        %add3A_123 = arith.addf %add3A_113, %mul3A_122 : vector<16xf32>
        %add3A_124 = arith.constant 96 : i32
        %add3A_125 = arith.addi %mul3A_64, %add3A_124 : i32
        %get3A_126 = arith.constant 0 : i32
        %get3A_127 = arith.index_cast %get3A_126 : i32 to index
        %get3A_128 = arith.index_cast %add3A_125 : i32 to index
        %get3A_129 = tpu.vector_load %arg6[%get3A_127, %get3A_128] {strides = array<i32>} : memref<4x4096xf32, #tpu.memory_space<vmem>>, vector<1x16xf32>,
        %get3A_130 = vector.shape_cast %get3A_129 : vector<1x16xf32> to vector<16xf32>
        %add3A_131 = arith.addf %add3A_121, %get3A_130 : vector<16xf32>
        %mul3A_132 = arith.mulf %get3A_130, %get3A_130 : vector<16xf32>
        %add3A_133 = arith.addf %add3A_123, %mul3A_132 : vector<16xf32>
        %add3A_134 = arith.constant 112 : i32
        %add3A_135 = arith.addi %mul3A_64, %add3A_134 : i32
        %get3A_136 = arith.constant 0 : i32
        %get3A_137 = arith.index_cast %get3A_136 : i32 to index
        %get3A_138 = arith.index_cast %add3A_135 : i32 to index
        %get3A_139 = tpu.vector_load %arg6[%get3A_137, %get3A_138] {strides = array<i32>} : memref<4x4096xf32, #tpu.memory_space<vmem>>, vector<1x16xf32>,
        %get3A_140 = vector.shape_cast %get3A_139 : vector<1x16xf32> to vector<16xf32>
        %add3A_141 = arith.addf %add3A_131, %get3A_140 : vector<16xf32>
        %mul3A_142 = arith.mulf %get3A_140, %get3A_140 : vector<16xf32>
        %add3A_143 = arith.addf %add3A_133, %mul3A_142 : vector<16xf32>
        %add3A_144 = arith.constant 0 : i32
        %add3A_145 = arith.addi %mul3A_64, %add3A_144 : i32
        %get3A_146 = arith.constant 1 : i32
        %get3A_147 = arith.index_cast %get3A_146 : i32 to index
        %get3A_148 = arith.index_cast %add3A_145 : i32 to index
        %get3A_149 = tpu.vector_load %arg6[%get3A_147, %get3A_148] {strides = array<i32>} : memref<4x4096xf32, #tpu.memory_space<vmem>>, vector<1x16xf32>,
        %get3A_150 = vector.shape_cast %get3A_149 : vector<1x16xf32> to vector<16xf32>
        %add3A_151 = arith.addf %add3A_141, %get3A_150 : vector<16xf32>
        %mul3A_152 = arith.mulf %get3A_150, %get3A_150 : vector<16xf32>
        %add3A_153 = arith.addf %add3A_143, %mul3A_152 : vector<16xf32>
        %add3A_154 = arith.constant 16 : i32
        %add3A_155 = arith.addi %mul3A_64, %add3A_154 : i32
        %get3A_156 = arith.constant 1 : i32
        %get3A_157 = arith.index_cast %get3A_156 : i32 to index
        %get3A_158 = arith.index_cast %add3A_155 : i32 to index
        %get3A_159 = tpu.vector_load %arg6[%get3A_157, %get3A_158] {strides = array<i32>} : memref<4x4096xf32, #tpu.memory_space<vmem>>, vector<1x16xf32>,
        %get3A_160 = vector.shape_cast %get3A_159 : vector<1x16xf32> to vector<16xf32>
        %add3A_161 = arith.addf %add3A_151, %get3A_160 : vector<16xf32>
        %mul3A_162 = arith.mulf %get3A_160, %get3A_160 : vector<16xf32>
        %add3A_163 = arith.addf %add3A_153, %mul3A_162 : vector<16xf32>
        %add3A_164 = arith.constant 32 : i32
        %add3A_165 = arith.addi %mul3A_64, %add3A_164 : i32
        %get3A_166 = arith.constant 1 : i32
        %get3A_167 = arith.index_cast %get3A_166 : i32 to index
        %get3A_168 = arith.index_cast %add3A_165 : i32 to index
        %get3A_169 = tpu.vector_load %arg6[%get3A_167, %get3A_168] {strides = array<i32>} : memref<4x4096xf32, #tpu.memory_space<vmem>>, vector<1x16xf32>,
        %get3A_170 = vector.shape_cast %get3A_169 : vector<1x16xf32> to vector<16xf32>
        %add3A_171 = arith.addf %add3A_161, %get3A_170 : vector<16xf32>
        %mul3A_172 = arith.mulf %get3A_170, %get3A_170 : vector<16xf32>
        %add3A_173 = arith.addf %add3A_163, %mul3A_172 : vector<16xf32>
        %add3A_174 = arith.constant 48 : i32
        %add3A_175 = arith.addi %mul3A_64, %add3A_174 : i32
        %get3A_176 = arith.constant 1 : i32
        %get3A_177 = arith.index_cast %get3A_176 : i32 to index
        %get3A_178 = arith.index_cast %add3A_175 : i32 to index
        %get3A_179 = tpu.vector_load %arg6[%get3A_177, %get3A_178] {strides = array<i32>} : memref<4x4096xf32, #tpu.memory_space<vmem>>, vector<1x16xf32>,
        %get3A_180 = vector.shape_cast %get3A_179 : vector<1x16xf32> to vector<16xf32>
        %add3A_181 = arith.addf %add3A_171, %get3A_180 : vector<16xf32>
        %mul3A_182 = arith.mulf %get3A_180, %get3A_180 : vector<16xf32>
        %add3A_183 = arith.addf %add3A_173, %mul3A_182 : vector<16xf32>
        %add3A_184 = arith.constant 64 : i32
        %add3A_185 = arith.addi %mul3A_64, %add3A_184 : i32
        %get3A_186 = arith.constant 1 : i32
        %get3A_187 = arith.index_cast %get3A_186 : i32 to index
        %get3A_188 = arith.index_cast %add3A_185 : i32 to index
        %get3A_189 = tpu.vector_load %arg6[%get3A_187, %get3A_188] {strides = array<i32>} : memref<4x4096xf32, #tpu.memory_space<vmem>>, vector<1x16xf32>,
        %get3A_190 = vector.shape_cast %get3A_189 : vector<1x16xf32> to vector<16xf32>
        %add3A_191 = arith.addf %add3A_181, %get3A_190 : vector<16xf32>
        %mul3A_192 = arith.mulf %get3A_190, %get3A_190 : vector<16xf32>
        %add3A_193 = arith.addf %add3A_183, %mul3A_192 : vector<16xf32>
        %add3A_194 = arith.constant 80 : i32
        %add3A_195 = arith.addi %mul3A_64, %add3A_194 : i32
        %get3A_196 = arith.constant 1 : i32
        %get3A_197 = arith.index_cast %get3A_196 : i32 to index
        %get3A_198 = arith.index_cast %add3A_195 : i32 to index
        %get3A_199 = tpu.vector_load %arg6[%get3A_197, %get3A_198] {strides = array<i32>} : memref<4x4096xf32, #tpu.memory_space<vmem>>, vector<1x16xf32>,
        %get3A_200 = vector.shape_cast %get3A_199 : vector<1x16xf32> to vector<16xf32>
        %add3A_201 = arith.addf %add3A_191, %get3A_200 : vector<16xf32>
        %mul3A_202 = arith.mulf %get3A_200, %get3A_200 : vector<16xf32>
        %add3A_203 = arith.addf %add3A_193, %mul3A_202 : vector<16xf32>
        %add3A_204 = arith.constant 96 : i32
        %add3A_205 = arith.addi %mul3A_64, %add3A_204 : i32
        %get3A_206 = arith.constant 1 : i32
        %get3A_207 = arith.index_cast %get3A_206 : i32 to index
        %get3A_208 = arith.index_cast %add3A_205 : i32 to index
        %get3A_209 = tpu.vector_load %arg6[%get3A_207, %get3A_208] {strides = array<i32>} : memref<4x4096xf32, #tpu.memory_space<vmem>>, vector<1x16xf32>,
        %get3A_210 = vector.shape_cast %get3A_209 : vector<1x16xf32> to vector<16xf32>
        %add3A_211 = arith.addf %add3A_201, %get3A_210 : vector<16xf32>
        %mul3A_212 = arith.mulf %get3A_210, %get3A_210 : vector<16xf32>
        %add3A_213 = arith.addf %add3A_203, %mul3A_212 : vector<16xf32>
        %add3A_214 = arith.constant 112 : i32
        %add3A_215 = arith.addi %mul3A_64, %add3A_214 : i32
        %get3A_216 = arith.constant 1 : i32
        %get3A_217 = arith.index_cast %get3A_216 : i32 to index
        %get3A_218 = arith.index_cast %add3A_215 : i32 to index
        %get3A_219 = tpu.vector_load %arg6[%get3A_217, %get3A_218] {strides = array<i32>} : memref<4x4096xf32, #tpu.memory_space<vmem>>, vector<1x16xf32>,
        %get3A_220 = vector.shape_cast %get3A_219 : vector<1x16xf32> to vector<16xf32>
        %add3A_221 = arith.addf %add3A_211, %get3A_220 : vector<16xf32>
        %mul3A_222 = arith.mulf %get3A_220, %get3A_220 : vector<16xf32>
        %add3A_223 = arith.addf %add3A_213, %mul3A_222 : vector<16xf32>
        %add3A_224 = arith.constant 0 : i32
        %add3A_225 = arith.addi %mul3A_64, %add3A_224 : i32
        %get3A_226 = arith.constant 2 : i32
        %get3A_227 = arith.index_cast %get3A_226 : i32 to index
        %get3A_228 = arith.index_cast %add3A_225 : i32 to index
        %get3A_229 = tpu.vector_load %arg6[%get3A_227, %get3A_228] {strides = array<i32>} : memref<4x4096xf32, #tpu.memory_space<vmem>>, vector<1x16xf32>,
        %get3A_230 = vector.shape_cast %get3A_229 : vector<1x16xf32> to vector<16xf32>
        %add3A_231 = arith.addf %add3A_221, %get3A_230 : vector<16xf32>
        %mul3A_232 = arith.mulf %get3A_230, %get3A_230 : vector<16xf32>
        %add3A_233 = arith.addf %add3A_223, %mul3A_232 : vector<16xf32>
        %add3A_234 = arith.constant 16 : i32
        %add3A_235 = arith.addi %mul3A_64, %add3A_234 : i32
        %get3A_236 = arith.constant 2 : i32
        %get3A_237 = arith.index_cast %get3A_236 : i32 to index
        %get3A_238 = arith.index_cast %add3A_235 : i32 to index
        %get3A_239 = tpu.vector_load %arg6[%get3A_237, %get3A_238] {strides = array<i32>} : memref<4x4096xf32, #tpu.memory_space<vmem>>, vector<1x16xf32>,
        %get3A_240 = vector.shape_cast %get3A_239 : vector<1x16xf32> to vector<16xf32>
        %add3A_241 = arith.addf %add3A_231, %get3A_240 : vector<16xf32>
        %mul3A_242 = arith.mulf %get3A_240, %get3A_240 : vector<16xf32>
        %add3A_243 = arith.addf %add3A_233, %mul3A_242 : vector<16xf32>
        %add3A_244 = arith.constant 32 : i32
        %add3A_245 = arith.addi %mul3A_64, %add3A_244 : i32
        %get3A_246 = arith.constant 2 : i32
        %get3A_247 = arith.index_cast %get3A_246 : i32 to index
        %get3A_248 = arith.index_cast %add3A_245 : i32 to index
        %get3A_249 = tpu.vector_load %arg6[%get3A_247, %get3A_248] {strides = array<i32>} : memref<4x4096xf32, #tpu.memory_space<vmem>>, vector<1x16xf32>,
        %get3A_250 = vector.shape_cast %get3A_249 : vector<1x16xf32> to vector<16xf32>
        %add3A_251 = arith.addf %add3A_241, %get3A_250 : vector<16xf32>
        %mul3A_252 = arith.mulf %get3A_250, %get3A_250 : vector<16xf32>
        %add3A_253 = arith.addf %add3A_243, %mul3A_252 : vector<16xf32>
        %add3A_254 = arith.constant 48 : i32
        %add3A_255 = arith.addi %mul3A_64, %add3A_254 : i32
        %get3A_256 = arith.constant 2 : i32
        %get3A_257 = arith.index_cast %get3A_256 : i32 to index
        %get3A_258 = arith.index_cast %add3A_255 : i32 to index
        %get3A_259 = tpu.vector_load %arg6[%get3A_257, %get3A_258] {strides = array<i32>} : memref<4x4096xf32, #tpu.memory_space<vmem>>, vector<1x16xf32>,
        %get3A_260 = vector.shape_cast %get3A_259 : vector<1x16xf32> to vector<16xf32>
        %add3A_261 = arith.addf %add3A_251, %get3A_260 : vector<16xf32>
        %mul3A_262 = arith.mulf %get3A_260, %get3A_260 : vector<16xf32>
        %add3A_263 = arith.addf %add3A_253, %mul3A_262 : vector<16xf32>
        %add3A_264 = arith.constant 64 : i32
        %add3A_265 = arith.addi %mul3A_64, %add3A_264 : i32
        %get3A_266 = arith.constant 2 : i32
        %get3A_267 = arith.index_cast %get3A_266 : i32 to index
        %get3A_268 = arith.index_cast %add3A_265 : i32 to index
        %get3A_269 = tpu.vector_load %arg6[%get3A_267, %get3A_268] {strides = array<i32>} : memref<4x4096xf32, #tpu.memory_space<vmem>>, vector<1x16xf32>,
        %get3A_270 = vector.shape_cast %get3A_269 : vector<1x16xf32> to vector<16xf32>
        %add3A_271 = arith.addf %add3A_261, %get3A_270 : vector<16xf32>
        %mul3A_272 = arith.mulf %get3A_270, %get3A_270 : vector<16xf32>
        %add3A_273 = arith.addf %add3A_263, %mul3A_272 : vector<16xf32>
        %add3A_274 = arith.constant 80 : i32
        %add3A_275 = arith.addi %mul3A_64, %add3A_274 : i32
        %get3A_276 = arith.constant 2 : i32
        %get3A_277 = arith.index_cast %get3A_276 : i32 to index
        %get3A_278 = arith.index_cast %add3A_275 : i32 to index
        %get3A_279 = tpu.vector_load %arg6[%get3A_277, %get3A_278] {strides = array<i32>} : memref<4x4096xf32, #tpu.memory_space<vmem>>, vector<1x16xf32>,
        %get3A_280 = vector.shape_cast %get3A_279 : vector<1x16xf32> to vector<16xf32>
        %add3A_281 = arith.addf %add3A_271, %get3A_280 : vector<16xf32>
        %mul3A_282 = arith.mulf %get3A_280, %get3A_280 : vector<16xf32>
        %add3A_283 = arith.addf %add3A_273, %mul3A_282 : vector<16xf32>
        %add3A_284 = arith.constant 96 : i32
        %add3A_285 = arith.addi %mul3A_64, %add3A_284 : i32
        %get3A_286 = arith.constant 2 : i32
        %get3A_287 = arith.index_cast %get3A_286 : i32 to index
        %get3A_288 = arith.index_cast %add3A_285 : i32 to index
        %get3A_289 = tpu.vector_load %arg6[%get3A_287, %get3A_288] {strides = array<i32>} : memref<4x4096xf32, #tpu.memory_space<vmem>>, vector<1x16xf32>,
        %get3A_290 = vector.shape_cast %get3A_289 : vector<1x16xf32> to vector<16xf32>
        %add3A_291 = arith.addf %add3A_281, %get3A_290 : vector<16xf32>
        %mul3A_292 = arith.mulf %get3A_290, %get3A_290 : vector<16xf32>
        %add3A_293 = arith.addf %add3A_283, %mul3A_292 : vector<16xf32>
        %add3A_294 = arith.constant 112 : i32
        %add3A_295 = arith.addi %mul3A_64, %add3A_294 : i32
        %get3A_296 = arith.constant 2 : i32
        %get3A_297 = arith.index_cast %get3A_296 : i32 to index
        %get3A_298 = arith.index_cast %add3A_295 : i32 to index
        %get3A_299 = tpu.vector_load %arg6[%get3A_297, %get3A_298] {strides = array<i32>} : memref<4x4096xf32, #tpu.memory_space<vmem>>, vector<1x16xf32>,
        %get3A_300 = vector.shape_cast %get3A_299 : vector<1x16xf32> to vector<16xf32>
        %add3A_301 = arith.addf %add3A_291, %get3A_300 : vector<16xf32>
        %mul3A_302 = arith.mulf %get3A_300, %get3A_300 : vector<16xf32>
        %add3A_303 = arith.addf %add3A_293, %mul3A_302 : vector<16xf32>
        %add3A_304 = arith.constant 0 : i32
        %add3A_305 = arith.addi %mul3A_64, %add3A_304 : i32
        %get3A_306 = arith.constant 3 : i32
        %get3A_307 = arith.index_cast %get3A_306 : i32 to index
        %get3A_308 = arith.index_cast %add3A_305 : i32 to index
        %get3A_309 = tpu.vector_load %arg6[%get3A_307, %get3A_308] {strides = array<i32>} : memref<4x4096xf32, #tpu.memory_space<vmem>>, vector<1x16xf32>,
        %get3A_310 = vector.shape_cast %get3A_309 : vector<1x16xf32> to vector<16xf32>
        %add3A_311 = arith.addf %add3A_301, %get3A_310 : vector<16xf32>
        %mul3A_312 = arith.mulf %get3A_310, %get3A_310 : vector<16xf32>
        %add3A_313 = arith.addf %add3A_303, %mul3A_312 : vector<16xf32>
        %add3A_314 = arith.constant 16 : i32
        %add3A_315 = arith.addi %mul3A_64, %add3A_314 : i32
        %get3A_316 = arith.constant 3 : i32
        %get3A_317 = arith.index_cast %get3A_316 : i32 to index
        %get3A_318 = arith.index_cast %add3A_315 : i32 to index
        %get3A_319 = tpu.vector_load %arg6[%get3A_317, %get3A_318] {strides = array<i32>} : memref<4x4096xf32, #tpu.memory_space<vmem>>, vector<1x16xf32>,
        %get3A_320 = vector.shape_cast %get3A_319 : vector<1x16xf32> to vector<16xf32>
        %add3A_321 = arith.addf %add3A_311, %get3A_320 : vector<16xf32>
        %mul3A_322 = arith.mulf %get3A_320, %get3A_320 : vector<16xf32>
        %add3A_323 = arith.addf %add3A_313, %mul3A_322 : vector<16xf32>
        %add3A_324 = arith.constant 32 : i32
        %add3A_325 = arith.addi %mul3A_64, %add3A_324 : i32
        %get3A_326 = arith.constant 3 : i32
        %get3A_327 = arith.index_cast %get3A_326 : i32 to index
        %get3A_328 = arith.index_cast %add3A_325 : i32 to index
        %get3A_329 = tpu.vector_load %arg6[%get3A_327, %get3A_328] {strides = array<i32>} : memref<4x4096xf32, #tpu.memory_space<vmem>>, vector<1x16xf32>,
        %get3A_330 = vector.shape_cast %get3A_329 : vector<1x16xf32> to vector<16xf32>
        %add3A_331 = arith.addf %add3A_321, %get3A_330 : vector<16xf32>
        %mul3A_332 = arith.mulf %get3A_330, %get3A_330 : vector<16xf32>
        %add3A_333 = arith.addf %add3A_323, %mul3A_332 : vector<16xf32>
        %add3A_334 = arith.constant 48 : i32
        %add3A_335 = arith.addi %mul3A_64, %add3A_334 : i32
        %get3A_336 = arith.constant 3 : i32
        %get3A_337 = arith.index_cast %get3A_336 : i32 to index
        %get3A_338 = arith.index_cast %add3A_335 : i32 to index
        %get3A_339 = tpu.vector_load %arg6[%get3A_337, %get3A_338] {strides = array<i32>} : memref<4x4096xf32, #tpu.memory_space<vmem>>, vector<1x16xf32>,
        %get3A_340 = vector.shape_cast %get3A_339 : vector<1x16xf32> to vector<16xf32>
        %add3A_341 = arith.addf %add3A_331, %get3A_340 : vector<16xf32>
        %mul3A_342 = arith.mulf %get3A_340, %get3A_340 : vector<16xf32>
        %add3A_343 = arith.addf %add3A_333, %mul3A_342 : vector<16xf32>
        %add3A_344 = arith.constant 64 : i32
        %add3A_345 = arith.addi %mul3A_64, %add3A_344 : i32
        %get3A_346 = arith.constant 3 : i32
        %get3A_347 = arith.index_cast %get3A_346 : i32 to index
        %get3A_348 = arith.index_cast %add3A_345 : i32 to index
        %get3A_349 = tpu.vector_load %arg6[%get3A_347, %get3A_348] {strides = array<i32>} : memref<4x4096xf32, #tpu.memory_space<vmem>>, vector<1x16xf32>,
        %get3A_350 = vector.shape_cast %get3A_349 : vector<1x16xf32> to vector<16xf32>
        %add3A_351 = arith.addf %add3A_341, %get3A_350 : vector<16xf32>
        %mul3A_352 = arith.mulf %get3A_350, %get3A_350 : vector<16xf32>
        %add3A_353 = arith.addf %add3A_343, %mul3A_352 : vector<16xf32>
        %add3A_354 = arith.constant 80 : i32
        %add3A_355 = arith.addi %mul3A_64, %add3A_354 : i32
        %get3A_356 = arith.constant 3 : i32
        %get3A_357 = arith.index_cast %get3A_356 : i32 to index
        %get3A_358 = arith.index_cast %add3A_355 : i32 to index
        %get3A_359 = tpu.vector_load %arg6[%get3A_357, %get3A_358] {strides = array<i32>} : memref<4x4096xf32, #tpu.memory_space<vmem>>, vector<1x16xf32>,
        %get3A_360 = vector.shape_cast %get3A_359 : vector<1x16xf32> to vector<16xf32>
        %add3A_361 = arith.addf %add3A_351, %get3A_360 : vector<16xf32>
        %mul3A_362 = arith.mulf %get3A_360, %get3A_360 : vector<16xf32>
        %add3A_363 = arith.addf %add3A_353, %mul3A_362 : vector<16xf32>
        %add3A_364 = arith.constant 96 : i32
        %add3A_365 = arith.addi %mul3A_64, %add3A_364 : i32
        %get3A_366 = arith.constant 3 : i32
        %get3A_367 = arith.index_cast %get3A_366 : i32 to index
        %get3A_368 = arith.index_cast %add3A_365 : i32 to index
        %get3A_369 = tpu.vector_load %arg6[%get3A_367, %get3A_368] {strides = array<i32>} : memref<4x4096xf32, #tpu.memory_space<vmem>>, vector<1x16xf32>,
        %get3A_370 = vector.shape_cast %get3A_369 : vector<1x16xf32> to vector<16xf32>
        %add3A_371 = arith.addf %add3A_361, %get3A_370 : vector<16xf32>
        %mul3A_372 = arith.mulf %get3A_370, %get3A_370 : vector<16xf32>
        %add3A_373 = arith.addf %add3A_363, %mul3A_372 : vector<16xf32>
        %add3A_374 = arith.constant 112 : i32
        %add3A_375 = arith.addi %mul3A_64, %add3A_374 : i32
        %get3A_376 = arith.constant 3 : i32
        %get3A_377 = arith.index_cast %get3A_376 : i32 to index
        %get3A_378 = arith.index_cast %add3A_375 : i32 to index
        %get3A_379 = tpu.vector_load %arg6[%get3A_377, %get3A_378] {strides = array<i32>} : memref<4x4096xf32, #tpu.memory_space<vmem>>, vector<1x16xf32>,
        %get3A_380 = vector.shape_cast %get3A_379 : vector<1x16xf32> to vector<16xf32>
        %add3A_381 = arith.addf %add3A_371, %get3A_380 : vector<16xf32>
        %mul3A_382 = arith.mulf %get3A_380, %get3A_380 : vector<16xf32>
        %add3A_383 = arith.addf %add3A_373, %mul3A_382 : vector<16xf32>
        scf.yield %add3A_381, %add3A_383 : vector<16xf32>, vector<16xf32>
      }
      %scan3A_59 = arith.constant 32 : i32
      scf.yield %scan3A_58#0, %scan3A_58#1 : vector<16xf32>, vector<16xf32>
    }
    %scan3A_13 = arith.constant 4 : i32
    %swap3A = arith.constant 0 : index
    %swap3A_14 = tpu.vector_load %arg7[%swap3A] {strides = array<i32>} : memref<16xf32, #tpu.memory_space<vmem>>, vector<16xf32>,
    %swap3A_15 = vector.shape_cast %swap3A_14 : vector<16xf32> to vector<16xf32>
    %swap3A_16 = vector.shape_cast %scan3A_12#0 : vector<16xf32> to vector<16xf32>
    tpu.vector_store %arg7[%swap3A], %swap3A_16 {strides = array<i32>} : memref<16xf32, #tpu.memory_space<vmem>>, vector<16xf32>,
    %swap3A_17 = arith.constant 0 : index
    %swap3A_18 = tpu.vector_load %arg8[%swap3A_17] {strides = array<i32>} : memref<16xf32, #tpu.memory_space<vmem>>, vector<16xf32>,
    %swap3A_19 = vector.shape_cast %swap3A_18 : vector<16xf32> to vector<16xf32>
    %swap3A_20 = vector.shape_cast %scan3A_12#1 : vector<16xf32> to vector<16xf32>
    tpu.vector_store %arg8[%swap3A_17], %swap3A_20 {strides = array<i32>} : memref<16xf32, #tpu.memory_space<vmem>>, vector<16xf32>,
    "tpu.region"() ({
      %run_scoped3A = tpu.sem_alloc : memref<!tpu.dma_semaphore, #tpu.memory_space<semaphore_mem>>
      %dma_start3A_21 = arith.constant 0 : i32
      %dma_start3A_22 = tpu.memref_slice %arg3[%add3A, %dma_start3A_21] : memref<32x16xf32, #tpu.memory_space<hbm>> -> memref<1x16xf32, #tpu.memory_space<hbm>>
      %dma_start3A_23 = tpu.memref_squeeze %dma_start3A_22 : memref<1x16xf32, #tpu.memory_space<hbm>> -> memref<16xf32, #tpu.memory_space<hbm>>
      %dma_start3A_24 = arith.constant 0 : i32
      %dma_start3A_25 = tpu.memref_slice %arg3[%add3A, %dma_start3A_24] : memref<32x16xf32, #tpu.memory_space<hbm>> -> memref<1x16xf32, #tpu.memory_space<hbm>>
      %dma_start3A_26 = tpu.memref_squeeze %dma_start3A_25 : memref<1x16xf32, #tpu.memory_space<hbm>> -> memref<16xf32, #tpu.memory_space<hbm>>
      tpu.enqueue_dma source(%arg7 : memref<16xf32, #tpu.memory_space<vmem>>) target(%dma_start3A_26 : memref<16xf32, #tpu.memory_space<hbm>>) target_semaphore(%run_scoped3A : memref<!tpu.dma_semaphore, #tpu.memory_space<semaphore_mem>>)
      %dma_wait3A = arith.constant 0 : i32
      %dma_wait3A_27 = tpu.memref_slice %arg3[%add3A, %dma_wait3A] : memref<32x16xf32, #tpu.memory_space<hbm>> -> memref<1x16xf32, #tpu.memory_space<hbm>>
      %dma_wait3A_28 = tpu.memref_squeeze %dma_wait3A_27 : memref<1x16xf32, #tpu.memory_space<hbm>> -> memref<16xf32, #tpu.memory_space<hbm>>
      %dma_wait3A_29 = arith.constant 0 : i32
      %dma_wait3A_30 = tpu.memref_slice %arg3[%add3A, %dma_wait3A_29] : memref<32x16xf32, #tpu.memory_space<hbm>> -> memref<1x16xf32, #tpu.memory_space<hbm>>
      %dma_wait3A_31 = tpu.memref_squeeze %dma_wait3A_30 : memref<1x16xf32, #tpu.memory_space<hbm>> -> memref<16xf32, #tpu.memory_space<hbm>>
      tpu.wait_dma2 semaphore(%run_scoped3A : memref<!tpu.dma_semaphore, #tpu.memory_space<semaphore_mem>>) src(%arg7 : memref<16xf32, #tpu.memory_space<vmem>>) dst(%dma_wait3A_31 : memref<16xf32, #tpu.memory_space<hbm>>)
      tpu.yield
    }) : () -> ()
    "tpu.region"() ({
      %run_scoped3A = tpu.sem_alloc : memref<!tpu.dma_semaphore, #tpu.memory_space<semaphore_mem>>
      %dma_start3A_21 = arith.constant 0 : i32
      %dma_start3A_22 = tpu.memref_slice %arg4[%add3A, %dma_start3A_21] : memref<32x16xf32, #tpu.memory_space<hbm>> -> memref<1x16xf32, #tpu.memory_space<hbm>>
      %dma_start3A_23 = tpu.memref_squeeze %dma_start3A_22 : memref<1x16xf32, #tpu.memory_space<hbm>> -> memref<16xf32, #tpu.memory_space<hbm>>
      %dma_start3A_24 = arith.constant 0 : i32
      %dma_start3A_25 = tpu.memref_slice %arg4[%add3A, %dma_start3A_24] : memref<32x16xf32, #tpu.memory_space<hbm>> -> memref<1x16xf32, #tpu.memory_space<hbm>>
      %dma_start3A_26 = tpu.memref_squeeze %dma_start3A_25 : memref<1x16xf32, #tpu.memory_space<hbm>> -> memref<16xf32, #tpu.memory_space<hbm>>
      tpu.enqueue_dma source(%arg8 : memref<16xf32, #tpu.memory_space<vmem>>) target(%dma_start3A_26 : memref<16xf32, #tpu.memory_space<hbm>>) target_semaphore(%run_scoped3A : memref<!tpu.dma_semaphore, #tpu.memory_space<semaphore_mem>>)
      %dma_wait3A = arith.constant 0 : i32
      %dma_wait3A_27 = tpu.memref_slice %arg4[%add3A, %dma_wait3A] : memref<32x16xf32, #tpu.memory_space<hbm>> -> memref<1x16xf32, #tpu.memory_space<hbm>>
      %dma_wait3A_28 = tpu.memref_squeeze %dma_wait3A_27 : memref<1x16xf32, #tpu.memory_space<hbm>> -> memref<16xf32, #tpu.memory_space<hbm>>
      %dma_wait3A_29 = arith.constant 0 : i32
      %dma_wait3A_30 = tpu.memref_slice %arg4[%add3A, %dma_wait3A_29] : memref<32x16xf32, #tpu.memory_space<hbm>> -> memref<1x16xf32, #tpu.memory_space<hbm>>
      %dma_wait3A_31 = tpu.memref_squeeze %dma_wait3A_30 : memref<1x16xf32, #tpu.memory_space<hbm>> -> memref<16xf32, #tpu.memory_space<hbm>>
      tpu.wait_dma2 semaphore(%run_scoped3A : memref<!tpu.dma_semaphore, #tpu.memory_space<semaphore_mem>>) src(%arg8 : memref<16xf32, #tpu.memory_space<vmem>>) dst(%dma_wait3A_31 : memref<16xf32, #tpu.memory_space<hbm>>)
      tpu.yield
    }) : () -> ()
    return
  }
}

module attributes {stable_mosaic.version = 14 : i64} {
  func.func @_tc_stats_kernel(%arg0: i32, %arg1: memref<512x4096xf32, #tpu.memory_space<vmem>>, %arg2: memref<1x2xf32, #tpu.memory_space<smem>>, %arg3: memref<1x2xf32, #tpu.memory_space<smem>>) attributes {dimension_semantics = [#tpu.dimension_semantics<arbitrary>], iteration_bounds = array<i64: 14>, scalar_prefetch = 0 : i64, scratch_operands = 1 : i64, tpu.core_type = #tpu.core_type<tc>, window_params = [{transform_indices = @transform_0, window_bounds = array<i64: 512, 4096>}, {transform_indices = @transform_1, window_bounds = array<i64: 1, 2>}]} {
    %get3A = arith.constant 0 : index
    %get3A_0 = arith.constant 0 : index
    %get3A_1 = vector.load %arg1[%get3A, %get3A_0] : memref<512x4096xf32, #tpu.memory_space<vmem>>, vector<512x4096xf32>
    %eq3A = arith.constant 0 : i32
    %eq3A_2 = arith.cmpi eq, %arg0, %eq3A : i32
    %convert_element_type3A = arith.extui %eq3A_2 : i1 to i32
    %cond3A = arith.constant 0 : i32
    %cond3A_3 = arith.cmpi ne, %convert_element_type3A, %cond3A : i32
    scf.if %cond3A_3 {
      %swap3A_30 = arith.constant 0.000000e+00 : f32
      %swap3A_31 = arith.constant 0 : index
      %swap3A_32 = arith.constant 0 : index
      %swap3A_33 = memref.load %arg3[%swap3A_31, %swap3A_32] : memref<1x2xf32, #tpu.memory_space<smem>>
      memref.store %swap3A_30, %arg3[%swap3A_31, %swap3A_32] : memref<1x2xf32, #tpu.memory_space<smem>>
      %swap3A_34 = arith.constant 0.000000e+00 : f32
      %swap3A_35 = arith.constant 0 : index
      %swap3A_36 = arith.constant 1 : index
      %swap3A_37 = memref.load %arg3[%swap3A_35, %swap3A_36] : memref<1x2xf32, #tpu.memory_space<smem>>
      memref.store %swap3A_34, %arg3[%swap3A_35, %swap3A_36] : memref<1x2xf32, #tpu.memory_space<smem>>
    } else {
    }
    %get3A_4 = arith.constant 0 : index
    %get3A_5 = arith.constant 0 : index
    %get3A_6 = memref.load %arg3[%get3A_4, %get3A_5] : memref<1x2xf32, #tpu.memory_space<smem>>
    %reduce_sum3A = vector.shape_cast %get3A_1 : vector<512x4096xf32> to vector<1x512x4096xf32>
    %reduce_sum3A_7 = arith.constant dense<0.000000e+00> : vector<1xf32>
    %reduce_sum3A_8 = vector.multi_reduction <add>, %reduce_sum3A, %reduce_sum3A_7 [1, 2] : vector<1x512x4096xf32> to vector<1xf32>
    %reduce_sum3A_9 = vector.shape_cast %reduce_sum3A_8 : vector<1xf32> to vector<1x1x1xf32>
    %reduce_sum3A_10 = vector.extract %reduce_sum3A_9[0, 0, 0] : f32 from vector<1x1x1xf32>
    %add3A = arith.addf %get3A_6, %reduce_sum3A_10 : f32
    %swap3A = arith.constant 0 : index
    %swap3A_11 = arith.constant 0 : index
    %swap3A_12 = memref.load %arg3[%swap3A, %swap3A_11] : memref<1x2xf32, #tpu.memory_space<smem>>
    memref.store %add3A, %arg3[%swap3A, %swap3A_11] : memref<1x2xf32, #tpu.memory_space<smem>>
    %get3A_13 = arith.constant 0 : index
    %get3A_14 = arith.constant 1 : index
    %get3A_15 = memref.load %arg3[%get3A_13, %get3A_14] : memref<1x2xf32, #tpu.memory_space<smem>>
    %mul3A = arith.mulf %get3A_1, %get3A_1 : vector<512x4096xf32>
    %reduce_sum3A_16 = vector.shape_cast %mul3A : vector<512x4096xf32> to vector<1x512x4096xf32>
    %reduce_sum3A_17 = arith.constant dense<0.000000e+00> : vector<1xf32>
    %reduce_sum3A_18 = vector.multi_reduction <add>, %reduce_sum3A_16, %reduce_sum3A_17 [1, 2] : vector<1x512x4096xf32> to vector<1xf32>
    %reduce_sum3A_19 = vector.shape_cast %reduce_sum3A_18 : vector<1xf32> to vector<1x1x1xf32>
    %reduce_sum3A_20 = vector.extract %reduce_sum3A_19[0, 0, 0] : f32 from vector<1x1x1xf32>
    %add3A_21 = arith.addf %get3A_15, %reduce_sum3A_20 : f32
    %swap3A_22 = arith.constant 0 : index
    %swap3A_23 = arith.constant 1 : index
    %swap3A_24 = memref.load %arg3[%swap3A_22, %swap3A_23] : memref<1x2xf32, #tpu.memory_space<smem>>
    memref.store %add3A_21, %arg3[%swap3A_22, %swap3A_23] : memref<1x2xf32, #tpu.memory_space<smem>>
    %eq3A_25 = arith.constant 13 : i32
    %eq3A_26 = arith.cmpi eq, %arg0, %eq3A_25 : i32
    %convert_element_type3A_27 = arith.extui %eq3A_26 : i1 to i32
    %cond3A_28 = arith.constant 0 : i32
    %cond3A_29 = arith.cmpi ne, %convert_element_type3A_27, %cond3A_28 : i32
    scf.if %cond3A_29 {
      %get3A_30 = arith.constant 0 : index
      %get3A_31 = arith.constant 0 : index
      %get3A_32 = memref.load %arg3[%get3A_30, %get3A_31] : memref<1x2xf32, #tpu.memory_space<smem>>
      %swap3A_33 = arith.constant 0 : index
      %swap3A_34 = arith.constant 0 : index
      %swap3A_35 = memref.load %arg2[%swap3A_33, %swap3A_34] : memref<1x2xf32, #tpu.memory_space<smem>>
      memref.store %get3A_32, %arg2[%swap3A_33, %swap3A_34] : memref<1x2xf32, #tpu.memory_space<smem>>
      %get3A_36 = arith.constant 0 : index
      %get3A_37 = arith.constant 1 : index
      %get3A_38 = memref.load %arg3[%get3A_36, %get3A_37] : memref<1x2xf32, #tpu.memory_space<smem>>
      %swap3A_39 = arith.constant 0 : index
      %swap3A_40 = arith.constant 1 : index
      %swap3A_41 = memref.load %arg2[%swap3A_39, %swap3A_40] : memref<1x2xf32, #tpu.memory_space<smem>>
      memref.store %get3A_38, %arg2[%swap3A_39, %swap3A_40] : memref<1x2xf32, #tpu.memory_space<smem>>
    } else {
    }
    return
  }
  func.func @transform_0(%arg0: i32) -> (i32, i32) {
    %c0_i32 = arith.constant 0 : i32
    %c0_i32_0 = arith.constant 0 : i32
    return %arg0, %c0_i32 : i32, i32
  }
  func.func @transform_1(%arg0: i32) -> (i32, i32) {
    %c0_i32 = arith.constant 0 : i32
    %c0_i32_0 = arith.constant 0 : i32
    %c0_i32_1 = arith.constant 0 : i32
    return %c0_i32, %c0_i32_0 : i32, i32
  }
}

module attributes {stable_mosaic.version = 14 : i64} {
  func.func @_tc_apply_kernel(%arg0: i32, %arg1: memref<2xf32, #tpu.memory_space<smem>>, %arg2: memref<512x4096xf32, #tpu.memory_space<vmem>>, %arg3: memref<512x4096xf32, #tpu.memory_space<vmem>>) attributes {dimension_semantics = [#tpu.dimension_semantics<arbitrary>], iteration_bounds = array<i64: 16>, scalar_prefetch = 0 : i64, scratch_operands = 0 : i64, tpu.core_type = #tpu.core_type<tc>, window_params = [{transform_indices = @transform_0, window_bounds = array<i64: 2>}, {transform_indices = @transform_1, window_bounds = array<i64: 512, 4096>}, {transform_indices = @transform_2, window_bounds = array<i64: 512, 4096>}]} {
    %get3A = arith.constant 0 : index
    %get3A_0 = arith.constant 0 : index
    %get3A_1 = vector.load %arg2[%get3A, %get3A_0] : memref<512x4096xf32, #tpu.memory_space<vmem>>, vector<512x4096xf32>
    %get3A_2 = arith.constant 0 : index
    %get3A_3 = memref.load %arg1[%get3A_2] : memref<2xf32, #tpu.memory_space<smem>>
    %mul3A = vector.broadcast %get3A_3 : f32 to vector<512x4096xf32>
    %mul3A_4 = arith.mulf %get3A_1, %mul3A : vector<512x4096xf32>
    %get3A_5 = arith.constant 1 : index
    %get3A_6 = memref.load %arg1[%get3A_5] : memref<2xf32, #tpu.memory_space<smem>>
    %add3A = vector.broadcast %get3A_6 : f32 to vector<512x4096xf32>
    %add3A_7 = arith.addf %mul3A_4, %add3A : vector<512x4096xf32>
    %swap3A = arith.constant 0 : index
    %swap3A_8 = arith.constant 0 : index
    %swap3A_9 = vector.load %arg3[%swap3A, %swap3A_8] : memref<512x4096xf32, #tpu.memory_space<vmem>>, vector<512x4096xf32>
    tpu.vector_store %arg3[%swap3A, %swap3A_8], %add3A_7 {strides = array<i32>} : memref<512x4096xf32, #tpu.memory_space<vmem>>, vector<512x4096xf32>,
    return
  }
  func.func @transform_0(%arg0: i32) -> i32 {
    %c0_i32 = arith.constant 0 : i32
    %c0_i32_0 = arith.constant 0 : i32
    return %c0_i32 : i32
  }
  func.func @transform_1(%arg0: i32) -> (i32, i32) {
    %c0_i32 = arith.constant 0 : i32
    %c0_i32_0 = arith.constant 0 : i32
    return %arg0, %c0_i32 : i32, i32
  }
  func.func @transform_2(%arg0: i32) -> (i32, i32) {
    %c0_i32 = arith.constant 0 : i32
    %c0_i32_0 = arith.constant 0 : i32
    return %arg0, %c0_i32 : i32, i32
  }
}

</mosaic_0001>

<sc_bundles>
// kernel: kernel.5.cloned.1.call-start
scs
__scs_entry_jumppad:
0x0: {  	(pc) =	sbr.rel $0x88, $3  }
0x1: {  	(tag) =	ssettag $0x0;
	lr =	simm.s32 $0x1  }
0x2: {  	[smem:$0x3F9D] =	sst lr;
	_ =	strace $0xD0000000  }
0x3: {  	_ = 	snop  }
0x4: {  	_ = 	snop  }
0x5: {  	_ = 	snop  }
0x6: {  	_ = 	snop  }
0x7: {  	_ = 	snop  }
__scs_overlays_trampoline_lowered:
0x8: {  	[smem:$0x3FAC] =	sst s0  }
0x9: {  	[smem:$0x3FAD] =	sst s1  }
0xa: {  	[smem:$0x3FAE] =	sst s2  }
0xb: {  	[smem:$0x3FAF] =	sst s3  }
0xc: {  	[smem:$0x3FB0] =	sst s4  }
0xd: {  	[smem:$0x3FB1] =	sst s5  }
0xe: {  	[smem:$0x3FB2] =	sst s6  }
0xf: {  	[smem:$0x3FB3] =	sst s7  }
0x10: {  	[smem:$0x3FB4] =	sst s8  }
0x11: {  	[smem:$0x3FB5] =	sst s9;
	s0 =	simm.s32 @!p0 $0x0  }
0x12: {  	s1 =	sld [smem:$0x3F9B];
	s0 =	simm.s32 @p0 $0x1  }
0x13: {  	[smem:$0x3FB6] =	sst s0;
	s0 =	simm.s32 @!p1 $0x0  }
0x14: {  	s2 =	sld [smem:$0x3F9A];
	s0 =	simm.s32 @p1 $0x1  }
0x15: {  	[smem:$0x3FB7] =	sst s0;
	s0 =	simm.s32 @!p2 $0x0  }
0x16: {  	s3 =	sld [smem:$0x3FDB];
	s0 =	simm.s32 @p2 $0x1  }
0x17: {  	s4 =	simm.s32 $0x1BF5;
	[smem:$0x3FB9] =	sst s0  }
0x18: {  	s0 =	sld [smem:$0x3F9C];
	_ =	swait.ge [sflag:s4], $0x0  }
0x19: {  	s7 =	sld [smem:$0x3F9D]  }
0x1a: {  	s8 =	sadd.s32 $0xFFFFE003, lr  }
0x1b: {  	s9 =	sadd.s32 $0xFFFFFEF7, lr;
	s5 =	simm.s32 $0xFFFFFFFF;
	p2 =	slt.u32 s8, $0xFFFFF086  }
0x1c: {  	p1 =	slt.u32 s9, $0xF7A;
	s5 =	simm.s32 @!p2 $0x0  }
0x1d: {  	s5 =	simm.s32 @p1 $0x1;
	p0 =	seq.s32 s7, s2  }
0x1e: {  	s7 =	smul.u32 @!p0 $0xF7A, s2;
	p2 =	seq.s32 @!p0 s5, $0x0  }
0x1f: {  	s9 =	smul.u32 $0xF7A, s1;
	s8 =	simm.s32 @!p0 $0x1BF5;
	p2 =	por !p2, p0  }
0x20: {  	[sflag:s8] =	ssyncset.s32 @!p0 $0xFFFFF086;
	s6 =	sadd.s32 @!p0 s3, s7;
	s7 =	simm.s32 @!p0 $0x108  }
0x21: {  	s3 =	sadd.s32 s3, s9;
	s6 =	sadd.s32 @!p0 $0x88, s6;
	s7 =	simm.s32 @p2 $0x1082  }
0x22: {  	[simem:s7], [sflag:s8] =	dma.local @!p0 [hbm:s6], $0xF7A  }
0x23: {  	s9 =	sor.u32 $0xD0000000, s2;
	s6 =	simm.s32 $0x108;
	_ =	swait.ge @!p0 [sflag:s8], $0x0  }
0x24: {  	s3 =	sadd.s32 $0x88, s3;
	s6 =	simm.s32 @!p1 $0x1082;
	[sflag:s4] =	ssyncset.s32 $0xFFFFF086  }
0x25: {  	[simem:s6], [sflag:s4] =	dma.local [hbm:s3], $0xF7A  }
0x26: {  	[smem:$0x3F9D] =	sst s1;
	(tag) =	ssettag s2;
	_ =	strace s9  }
0x27: {  	s1 =	sld [smem:$0x3FAD]  }
0x28: {  	s2 =	sld [smem:$0x3FAE]  }
0x29: {  	s4 =	sld [smem:$0x3FB0]  }
0x2a: {  	p0 =	seq.s32 s5, $0x0;
	s5 =	sld [smem:$0x3FB1]  }
0x2b: {  	s6 =	sld [smem:$0x3FB2]  }
0x2c: {  	s7 =	sld [smem:$0x3FB3]  }
0x2d: {  	s3 =	simm.s32 $0x108;
	s8 =	sld [smem:$0x3FB4]  }
0x2e: {  	s3 =	simm.s32 @!p0 $0x1082;
	s9 =	sld [smem:$0x3FB5]  }
0x2f: {  	lr =	sadd.s32 s0, s3;
	s0 =	sld [smem:$0x3FAC]  }
0x30: {  	s3 =	sld [smem:$0x3FAF]  }
0x31: {  	[smem:$0x3FB8] =	sst s10  }
0x32: {  	s10 =	sld [smem:$0x3FB6];
	_ =	sdelay $0x3  }
0x33: {  	p0 =	seq.s32 s10, $0x1;
	s10 =	sld [smem:$0x3FB8];
	_ =	sdelay $0x3  }
0x34: {  	[smem:$0x3FB8] =	sst s10  }
0x35: {  	s10 =	sld [smem:$0x3FB7];
	_ =	sdelay $0x3  }
0x36: {  	p1 =	seq.s32 s10, $0x1;
	s10 =	sld [smem:$0x3FB8];
	_ =	sdelay $0x3  }
0x37: {  	[smem:$0x3FB8] =	sst s10  }
0x38: {  	s10 =	sld [smem:$0x3FB9]  }
0x39: {  	_ = 	snop;
	(pc) =	sbr.ind lr, $3  }
0x3a: {  	_ = 	snop  }
0x3b: {  	_ = 	snop  }
0x3c: {  	p2 =	seq.s32 s10, $0x1;
	s10 =	sld [smem:$0x3FB8]  }
0x3d: {  	_ =	shalt  }
0x3e: {  	_ =	shalt  }
0x3f: {  	_ =	shalt  }
0x40: {  	_ =	shalt  }
0x41: {  	_ =	shalt  }
0x42: {  	_ =	shalt  }
0x43: {  	_ =	shalt  }
0x44: {  	_ =	shalt  }
0x45: {  	_ =	shalt  }
0x46: {  	_ =	shalt  }
0x47: {  	_ =	shalt  }
0x48: {  	_ =	shalt  }
0x49: {  	_ =	shalt  }
0x4a: {  	_ =	shalt  }
0x4b: {  	_ =	shalt  }
0x4c: {  	_ =	shalt  }
0x4d: {  	_ =	shalt  }
0x4e: {  	_ =	shalt  }
0x4f: {  	_ =	shalt  }
0x50: {  	_ =	shalt  }
0x51: {  	_ =	shalt  }
0x52: {  	_ =	shalt  }
0x53: {  	_ =	shalt  }
0x54: {  	_ =	shalt  }
0x55: {  	_ =	shalt  }
0x56: {  	_ =	shalt  }
0x57: {  	_ =	shalt  }
0x58: {  	_ =	shalt  }
0x59: {  	_ =	shalt  }
0x5a: {  	_ =	shalt  }
0x5b: {  	_ =	shalt  }
0x5c: {  	_ =	shalt  }
0x5d: {  	_ =	shalt  }
0x5e: {  	_ =	shalt  }
0x5f: {  	_ =	shalt  }
0x60: {  	_ =	shalt  }
0x61: {  	_ =	shalt  }
0x62: {  	_ =	shalt  }
0x63: {  	_ =	shalt  }
0x64: {  	_ =	shalt  }
0x65: {  	_ =	shalt  }
0x66: {  	_ =	shalt  }
0x67: {  	_ =	shalt  }
0x68: {  	_ =	shalt  }
0x69: {  	_ =	shalt  }
0x6a: {  	_ =	shalt  }
0x6b: {  	_ =	shalt  }
0x6c: {  	_ =	shalt  }
0x6d: {  	_ =	shalt  }
0x6e: {  	_ =	shalt  }
0x6f: {  	_ =	shalt  }
0x70: {  	_ =	shalt  }
0x71: {  	_ =	shalt  }
0x72: {  	_ =	shalt  }
0x73: {  	_ =	shalt  }
0x74: {  	_ =	shalt  }
0x75: {  	_ =	shalt  }
0x76: {  	_ =	shalt  }
0x77: {  	_ =	shalt  }
0x78: {  	_ =	shalt  }
0x79: {  	_ =	shalt  }
0x7a: {  	_ =	shalt  }
0x7b: {  	_ =	shalt  }
0x7c: {  	_ =	shalt  }
0x7d: {  	_ =	shalt  }
0x7e: {  	_ =	shalt  }
0x7f: {  	_ =	shalt  }
0x80: {  	_ =	shalt  }
0x81: {  	_ =	shalt  }
0x82: {  	_ =	shalt  }
0x83: {  	_ =	shalt  }
0x84: {  	_ =	shalt  }
0x85: {  	_ =	shalt  }
0x86: {  	_ =	shalt  }
0x87: {  	_ =	shalt  }
.Lfunc_end0:
.L_simem_size_0:
called_computation_lowered:
.L_overlay_start_0:
0x88: {  	s2 =	sld [smem:$0x3FD9]  }
0x89: {  	s3 =	sld [smem:$0x3FFE];
	_ =	sdelay $0x1  }
0x8a: {  	s1 =	srdreg.scid  }
0x8b: {  	s0 =	sand.u32 $0x1, s1  }
0x8c: {  	s17 =	sshll.u32 s0, $0xA;
	s2 =	sadd.s32 s3, s2  }
0x8d: {  	s2 =	sadd.s32 s2, s17  }
0x8e: {  	[smem:$0x3FC4] =	sst s2  }
0x8f: {  	_ = 	snop  }
0x90: {  	s2 =	sld [smem:$0x3FC9]  }
0x91: {  	s18 =	sld [smem:$0x3FD0];
	(tm) =	ssettm $0x1  }
0x92: {  	s4 =	sld [smem:$0x3FFB];
	_ =	sdelay $0x3  }
0x93: {  	_ =	strace s4  }
0x94: {  	s4 =	sld [smem:$0x3FFC];
	_ =	sdelay $0x3  }
0x95: {  	_ =	strace s4  }
0x96: {  	s4 =	sld [smem:$0x3FFD];
	_ =	sdelay $0x3  }
0x97: {  	_ =	strace s4  }
0x98: {  	_ =	strace $0x8FFFFFFF  }
0x99: {  	s19 =	sld [smem:$0x3FDB];
	_ =	sdelay $0x1  }
0x9a: {  	s5 =	simm.s32 $_scs_section_size  }
0x9b: {  	s6 =	simm.s32 $_size__tile_overlayer_lowered;
	s7 =	simm.s32 $_tile_overlayer_lowered  }
0x9c: {  	s22 =	simm.s32 $0x1BFF;
	s21 =	sshll.u32 s7, $0x1;
	s4 =	sadd.s32 s5, s19  }
0x9d: {  	s8 =	simm.s32 $0x0;
	s20 =	sshll.u32 s6, $0x1;
	s6 =	sadd.s32 s21, s4  }
0x9e: {  	[timem:s8], [sflag:s22] =	dma.local [hbm:s6], s20  }
0x9f: {  	_ =	swait.ge [sflag:s22], s20  }
0xa0: {  	s5 =	ssub.s32 $0x0, s20;
	[sflag:s22] =	ssyncset.done $0x0  }
0xa1: {  	[sflag:s22] =	ssyncadd.s32 s5;
	_ =	sdelay $0x1  }
0xa2: {  	s23 =	simm.s32 $0x1B8B  }
0xa3: {  	_ =	swait.ge [sflag:s23], $0x1  }
0xa4: {  	[sflag:s23] =	ssyncset.done $0x0  }
0xa5: {  	s25 =	simm.s32 $0x1B8E;
	s24 =	sld [smem:$0x3FFE];
	[sflag:s23] =	ssyncadd.s32 $0xFFFFFFFF  }
0xa6: {  	s26 =	simm.s32 $execute0_lowered;
	[smem:$0x3FD2] =	sst s25  }
0xa7: {  	s6 =	sshll.u32 s26, $0x1;
	_ =	strace $0x80000046;
	[dreg:$0x1] =	wrdreg $0xFFFFFFFF  }
0xa8: {  	s28 =	simm.s32 $_size_execute0_lowered;
	s4 =	sadd.s32 s4, s6;
	[dreg:$0x0] =	wrdreg $0x0  }
0xa9: {  	s6 =	sshll.u32 s28, $0x1;
	[dreg:$0x2] =	wrdreg s4  }
0xaa: {  	[dreg:$0x3] =	wrdreg s6  }
0xab: {  	[dreg:$0x4] =	wrdreg $0xC0  }
0xac: {  	_ =	task [dreg:s8], $0x5FFFF  }
0xad: {  	[dreg:$0x1] =	wrdreg $0xFFFFFFFF  }
0xae: {  	[dreg:$0x0] =	wrdreg $0x60  }
0xaf: {  	[dreg:$0x2] =	wrdreg s2  }
0xb0: {  	[dreg:$0x3] =	wrdreg s18  }
0xb1: {  	[dreg:$0x4] =	wrdreg s24  }
0xb2: {  	[dreg:$0x5] =	wrdreg $0x9  }
0xb3: {  	_ =	task.clear_ibuf [dreg:s8], $0x6FFFF;
	_ =	strace $0x90000046  }
0xb4: {  	s29 =	simm.s32 $0x9;
	_ =	strace $0x80000048  }
0xb5: {  	_ =	swait.ge [sflag:s29], $0x1  }
0xb6: {  	[sflag:s29] =	ssyncadd.s32 $0xFFFFFFFF  }
0xb7: {  	_ =	strace $0x90000048  }
0xb8: {  	_ =	sfence  }
0xb9: {  	s30 =	sld [smem:$0x0];
	_ =	sdelay $0x2  }
0xba: {  	s31 =	sshll.u32 s1, $0xD;
	s1 =	sshrl.u32 s1, $0x2  }
0xbb: {  	s3 =	sand.u32 $0x4000, s31;
	s1 =	sadd.s32 s1, s30  }
0xbc: {  	s0 =	sor.u32 s3, s0;
	s1 =	sshll.u32 s1, $0x11  }
0xbd: {  	s0 =	sor.u32 s1, s0  }
0xbe: {  	s0 =	sadd.s32 $0x8F2B, s0  }
0xbf: {  	[sflag:s0] =	ssyncadd.remote.s32 $0x1  }
0xc0: {  	_ =	sfence.sel $0xFFFF  }
0xc1: {  	[dreg:$0x0] =	wrdreg $0xFFFFFFFF;
	(pc) =	sbr.abs _section_cstart, $3  }
0xc2: {  	[dreg:$0x1] =	wrdreg $0xFFFFFFFF  }
0xc3: {  	_ =	task.clear_ibuf [dreg:s8], $0x2FFFF;
	_ =	strace $0x9FFFFFFF  }
0xc4: {  	(tm) =	ssettm $0x7FFFFFFF  }
0xc5: {  	_ =	shalt  }
tec
execute0_lowered:
.L_overlay_start_1:
0x0: {  	(tag) =	ssettag $0x1  }
0x1: {  	s6 =	rddreg [dreg:$0x0]  }
0x2: {  	s7 =	rddreg [dreg:$0x1]  }
0x3: {  	s3 =	rddreg [dreg:$0x2]  }
0x4: {  	s0 =	rddreg [dreg:$0x3]  }
0x5: {  	s2 =	simm.s32 $0x0;
	s4 =	srdreg.scid;
	s1 =	stileid.u32  }
0x6: {  	s11 =	simm.s32 $0x400;
	s12 =	simm.s32 $0x4000;
	s13 =	simm.s32 $0x1  }
0x7: {  	s14 =	simm.s32 $0x2;
	s15 =	simm.s32 $0x8000;
	s16 =	simm.s32 $0x3  }
0x8: {  	s17 =	simm.s32 $0x8080;
	s4 =	sand.u32 $0x1, s4;
	s5 =	sshll.u32 s1, $0x1  }
0x9: {  	s18 =	simm.s32 $0x0;
	[smem:$0x7FF] =	sst s2;
	s5 =	sor.u32 s4, s5  }
0xa: {  	_ =	strace $0x80000047;
	s4 =	ssub.s32 $0x2, s4;
	s8 =	sshll.u32 s5, $0x4  }
0xb: {  	s9 =	sshrl.u32 s4, $0x1;
	s5 =	sshll.u32 s5, $0xE;
	s10 =	sadd.s32 s8, s3  }
0xc: {  	s9 =	ssub.s32 s4, s9;
	s3 =	sor.u32 $0x380000, s5;
	s5 =	sadd.s32 $0x40, s6  }
0xd: {  	s7 =	sadd.s32 s7, s8;
	s4 =	sadd.s32 s6, s3;
	s6 =	sadd.s32 $0x1000, s6  }
0xe: {  	s8 =	sadd.s32 $0x400, s10;
	s9 =	smax.u32 s9, $0x1;
	s10 =	simm.s32 $0x200  }
.LBB2_1:
0xf: {  	[tilespmem:s2], [sflag:$0x1] =	stream.strided.gather [hbm4b:s4+s10], $0x4000, s11, s10, $0x38;
	[tilespmem:$0x8100] =	vst v63  }
0x10: {  	v0 =	vimm.f32 $0.0e+00;
	v1 =	vimm.f32 $0.0e+00;
	s19 =	simm.s32 $0x0  }
.LBB2_2:
0x11: {  	s20 =	sshll.u32 s19, $0xC  }
0x12: {  	s20 =	sadd.s32 s3, s20  }
0x13: {  	s21 =	sadd.s32 s20, s5  }
0x14: {  	[tilespmem:s12], [sflag:$0x2] =	stream.strided.gather [hbm4b:s21+s10], $0x4000, s11, s10, $0x38;
	[tilespmem:$0x8100] =	vst v63  }
0x15: {  	_ =	swait.ge [sflag:s13], $0x4000  }
0x16: {  	[sflag:s13] =	ssyncset.done $0x0  }
0x17: {  	s31 =	simm.s32 $0x0;
	[sflag:s13] =	ssyncadd.s32 $0xFFFFC000  }
0x18: {  	v2 =	vld [tilespmem:s31+$0x0];
	_ =	sdelay $0x1  }
0x19: {  	v3 =	vld [tilespmem:s31+$0x10];
	_ =	sdelay $0x1  }
0x1a: {  	v4 =	vld [tilespmem:s31+$0x20]  }
0x1b: {  	v5 =	vmul.f32 v2, v2  }
0x1c: {  	v6 =	vld [tilespmem:s31+$0x30]  }
0x1d: {  	v1 =	vadd.f32 v2, v1;
	v2 =	vmul.f32 v3, v3;
	v0 =	vadd.f32 v5, v0  }
0x1e: {  	v5 =	vld [tilespmem:s31+$0x40]  }
0x1f: {  	v0 =	vadd.f32 v2, v0;
	v2 =	vmul.f32 v4, v4  }
0x20: {  	v1 =	vadd.f32 v3, v1;
	v3 =	vld [tilespmem:s31+$0x50]  }
0x21: {  	v0 =	vadd.f32 v2, v0;
	v2 =	vmul.f32 v6, v6  }
0x22: {  	v1 =	vadd.f32 v4, v1;
	v4 =	vld [tilespmem:s31+$0x60]  }
0x23: {  	v0 =	vadd.f32 v2, v0;
	v2 =	vmul.f32 v5, v5  }
0x24: {  	v1 =	vadd.f32 v6, v1;
	v6 =	vld [tilespmem:s31+$0x70]  }
0x25: {  	v0 =	vadd.f32 v2, v0;
	v2 =	vmul.f32 v3, v3  }
0x26: {  	v1 =	vadd.f32 v5, v1;
	v5 =	vld [tilespmem:s31+$0x80]  }
0x27: {  	v0 =	vadd.f32 v2, v0;
	v2 =	vmul.f32 v4, v4  }
0x28: {  	v1 =	vadd.f32 v3, v1;
	v3 =	vld [tilespmem:s31+$0x90]  }
0x29: {  	v0 =	vadd.f32 v2, v0;
	v2 =	vmul.f32 v6, v6  }
0x2a: {  	v1 =	vadd.f32 v4, v1;
	v4 =	vld [tilespmem:s31+$0xA0]  }
0x2b: {  	v0 =	vadd.f32 v2, v0;
	v2 =	vmul.f32 v5, v5  }
0x2c: {  	v1 =	vadd.f32 v6, v1;
	v6 =	vld [tilespmem:s31+$0xB0]  }
0x2d: {  	v0 =	vadd.f32 v2, v0;
	v2 =	vmul.f32 v3, v3  }
0x2e: {  	v1 =	vadd.f32 v5, v1;
	v5 =	vld [tilespmem:s31+$0xC0]  }
0x2f: {  	v0 =	vadd.f32 v2, v0;
	v2 =	vmul.f32 v4, v4  }
0x30: {  	v1 =	vadd.f32 v3, v1;
	v3 =	vld [tilespmem:s31+$0xD0]  }
0x31: {  	v0 =	vadd.f32 v2, v0;
	v2 =	vmul.f32 v6, v6  }
0x32: {  	v1 =	vadd.f32 v4, v1;
	v4 =	vld [tilespmem:s31+$0xE0]  }
0x33: {  	v0 =	vadd.f32 v2, v0;
	v2 =	vmul.f32 v5, v5  }
0x34: {  	v1 =	vadd.f32 v6, v1;
	v6 =	vld [tilespmem:s31+$0xF0]  }
0x35: {  	v0 =	vadd.f32 v2, v0;
	v2 =	vmul.f32 v3, v3  }
0x36: {  	v1 =	vadd.f32 v5, v1;
	v5 =	vld [tilespmem:s31+$0x100]  }
0x37: {  	v0 =	vadd.f32 v2, v0;
	v2 =	vmul.f32 v4, v4  }
0x38: {  	v1 =	vadd.f32 v3, v1;
	v3 =	vld [tilespmem:s31+$0x110]  }
0x39: {  	v0 =	vadd.f32 v2, v0;
	v2 =	vmul.f32 v6, v6  }
0x3a: {  	v1 =	vadd.f32 v4, v1;
	v4 =	vld [tilespmem:s31+$0x120]  }
0x3b: {  	v0 =	vadd.f32 v2, v0;
	v2 =	vmul.f32 v5, v5  }
0x3c: {  	v1 =	vadd.f32 v6, v1;
	v6 =	vld [tilespmem:s31+$0x130]  }
0x3d: {  	v0 =	vadd.f32 v2, v0;
	v2 =	vmul.f32 v3, v3  }
0x3e: {  	v1 =	vadd.f32 v5, v1;
	v5 =	vld [tilespmem:s31+$0x140]  }
0x3f: {  	v0 =	vadd.f32 v2, v0;
	v2 =	vmul.f32 v4, v4  }
0x40: {  	v1 =	vadd.f32 v3, v1;
	v3 =	vld [tilespmem:s31+$0x150]  }
0x41: {  	v0 =	vadd.f32 v2, v0;
	v2 =	vmul.f32 v6, v6  }
0x42: {  	v1 =	vadd.f32 v4, v1;
	v4 =	vld [tilespmem:s31+$0x160]  }
0x43: {  	v0 =	vadd.f32 v2, v0;
	v2 =	vmul.f32 v5, v5  }
0x44: {  	v1 =	vadd.f32 v6, v1;
	v6 =	vld [tilespmem:s31+$0x170]  }
0x45: {  	v0 =	vadd.f32 v2, v0;
	v2 =	vmul.f32 v3, v3  }
0x46: {  	v1 =	vadd.f32 v5, v1;
	v5 =	vld [tilespmem:s31+$0x180]  }
0x47: {  	v0 =	vadd.f32 v2, v0;
	v2 =	vmul.f32 v4, v4  }
0x48: {  	v1 =	vadd.f32 v3, v1;
	v3 =	vld [tilespmem:s31+$0x190]  }
0x49: {  	v0 =	vadd.f32 v2, v0;
	v2 =	vmul.f32 v6, v6  }
0x4a: {  	v1 =	vadd.f32 v4, v1;
	v4 =	vld [tilespmem:s31+$0x1A0]  }
0x4b: {  	v0 =	vadd.f32 v2, v0;
	v2 =	vmul.f32 v5, v5  }
0x4c: {  	v1 =	vadd.f32 v6, v1;
	v6 =	vld [tilespmem:s31+$0x1B0]  }
0x4d: {  	v0 =	vadd.f32 v2, v0;
	v2 =	vmul.f32 v3, v3  }
0x4e: {  	v1 =	vadd.f32 v5, v1  }
0x4f: {  	v5 =	vld [tilespmem:s31+$0x1C0];
	v0 =	vadd.f32 v2, v0;
	v2 =	vmul.f32 v4, v4  }
0x50: {  	v3 =	vadd.f32 v3, v1  }
0x51: {  	v1 =	vld [tilespmem:s31+$0x1D0];
	v0 =	vadd.f32 v2, v0;
	v2 =	vmul.f32 v6, v6  }
0x52: {  	v3 =	vadd.f32 v4, v3  }
0x53: {  	v4 =	vadd.f32 v2, v0;
	v2 =	vld [tilespmem:s31+$0x1E0]  }
0x54: {  	v3 =	vadd.f32 v6, v3;
	v6 =	vmul.f32 v5, v5  }
0x55: {  	v0 =	vld [tilespmem:s31+$0x1F0]  }
0x56: {  	s22 =	simm.s32 $0x1000;
	s21 =	simm.s32 $0x200;
	v3 =	vadd.f32 v5, v3;
	v5 =	vmul.f32 v1, v1;
	v4 =	vadd.f32 v6, v4  }
.LBB2_3:
0x57: {  	p0 =	sne.s32 s22, $0xF800;
	v6 =	vld [tilespmem:s21+$0x0]  }
0x58: {  	v1 =	vadd.f32 v1, v3;
	v3 =	vadd.f32 v5, v4;
	v4 =	vmul.f32 v2, v2  }
0x59: {  	v5 =	vld [tilespmem:s21+$0x10]  }
0x5a: {  	v1 =	vadd.f32 v2, v1;
	v2 =	vadd.f32 v4, v3;
	v3 =	vmul.f32 v0, v0  }
0x5b: {  	v4 =	vld [tilespmem:s21+$0x20]  }
0x5c: {  	v7 =	vmul.f32 v6, v6;
	v0 =	vadd.f32 v0, v1;
	v1 =	vadd.f32 v3, v2  }
0x5d: {  	v2 =	vld [tilespmem:s21+$0x30]  }
0x5e: {  	v0 =	vadd.f32 v6, v0;
	v1 =	vadd.f32 v7, v1;
	v3 =	vmul.f32 v5, v5  }
0x5f: {  	v6 =	vld [tilespmem:s21+$0x40]  }
0x60: {  	v0 =	vadd.f32 v5, v0;
	v1 =	vadd.f32 v3, v1;
	v3 =	vmul.f32 v4, v4  }
0x61: {  	v5 =	vld [tilespmem:s21+$0x50]  }
0x62: {  	v0 =	vadd.f32 v4, v0;
	v1 =	vadd.f32 v3, v1;
	v3 =	vmul.f32 v2, v2  }
0x63: {  	v4 =	vld [tilespmem:s21+$0x60]  }
0x64: {  	v0 =	vadd.f32 v2, v0;
	v1 =	vadd.f32 v3, v1;
	v2 =	vmul.f32 v6, v6  }
0x65: {  	v3 =	vld [tilespmem:s21+$0x70]  }
0x66: {  	v0 =	vadd.f32 v6, v0;
	v1 =	vadd.f32 v2, v1;
	v2 =	vmul.f32 v5, v5  }
0x67: {  	v6 =	vld [tilespmem:s21+$0x80]  }
0x68: {  	v0 =	vadd.f32 v5, v0;
	v1 =	vadd.f32 v2, v1;
	v2 =	vmul.f32 v4, v4  }
0x69: {  	v5 =	vld [tilespmem:s21+$0x90]  }
0x6a: {  	v0 =	vadd.f32 v4, v0;
	v1 =	vadd.f32 v2, v1;
	v2 =	vmul.f32 v3, v3  }
0x6b: {  	v4 =	vld [tilespmem:s21+$0xA0]  }
0x6c: {  	v0 =	vadd.f32 v3, v0;
	v1 =	vadd.f32 v2, v1;
	v2 =	vmul.f32 v6, v6  }
0x6d: {  	v3 =	vld [tilespmem:s21+$0xB0]  }
0x6e: {  	v0 =	vadd.f32 v6, v0;
	v1 =	vadd.f32 v2, v1;
	v2 =	vmul.f32 v5, v5  }
0x6f: {  	v6 =	vld [tilespmem:s21+$0xC0]  }
0x70: {  	v0 =	vadd.f32 v5, v0;
	v1 =	vadd.f32 v2, v1;
	v2 =	vmul.f32 v4, v4  }
0x71: {  	v5 =	vld [tilespmem:s21+$0xD0]  }
0x72: {  	v0 =	vadd.f32 v4, v0;
	v1 =	vadd.f32 v2, v1;
	v2 =	vmul.f32 v3, v3  }
0x73: {  	v4 =	vld [tilespmem:s21+$0xE0]  }
0x74: {  	v0 =	vadd.f32 v3, v0;
	v1 =	vadd.f32 v2, v1;
	v2 =	vmul.f32 v6, v6  }
0x75: {  	v3 =	vld [tilespmem:s21+$0xF0]  }
0x76: {  	v0 =	vadd.f32 v6, v0;
	v1 =	vadd.f32 v2, v1;
	v2 =	vmul.f32 v5, v5  }
0x77: {  	v6 =	vld [tilespmem:s21+$0x100]  }
0x78: {  	v0 =	vadd.f32 v5, v0;
	v1 =	vadd.f32 v2, v1;
	v2 =	vmul.f32 v4, v4  }
0x79: {  	v5 =	vld [tilespmem:s21+$0x110]  }
0x7a: {  	v0 =	vadd.f32 v4, v0;
	v1 =	vadd.f32 v2, v1;
	v2 =	vmul.f32 v3, v3  }
0x7b: {  	v4 =	vld [tilespmem:s21+$0x120]  }
0x7c: {  	v0 =	vadd.f32 v3, v0;
	v1 =	vadd.f32 v2, v1;
	v2 =	vmul.f32 v6, v6  }
0x7d: {  	v3 =	vld [tilespmem:s21+$0x130]  }
0x7e: {  	v0 =	vadd.f32 v6, v0;
	v1 =	vadd.f32 v2, v1;
	v2 =	vmul.f32 v5, v5  }
0x7f: {  	v6 =	vld [tilespmem:s21+$0x140]  }
0x80: {  	v0 =	vadd.f32 v5, v0;
	v1 =	vadd.f32 v2, v1;
	v2 =	vmul.f32 v4, v4  }
0x81: {  	v5 =	vld [tilespmem:s21+$0x150]  }
0x82: {  	v0 =	vadd.f32 v4, v0;
	v1 =	vadd.f32 v2, v1;
	v2 =	vmul.f32 v3, v3  }
0x83: {  	v4 =	vld [tilespmem:s21+$0x160]  }
0x84: {  	v0 =	vadd.f32 v3, v0;
	v1 =	vadd.f32 v2, v1;
	v2 =	vmul.f32 v6, v6  }
0x85: {  	v3 =	vld [tilespmem:s21+$0x170]  }
0x86: {  	v0 =	vadd.f32 v6, v0;
	v1 =	vadd.f32 v2, v1;
	v2 =	vmul.f32 v5, v5  }
0x87: {  	v6 =	vld [tilespmem:s21+$0x180]  }
0x88: {  	v0 =	vadd.f32 v5, v0;
	v1 =	vadd.f32 v2, v1;
	v2 =	vmul.f32 v4, v4  }
0x89: {  	v5 =	vld [tilespmem:s21+$0x190]  }
0x8a: {  	v0 =	vadd.f32 v4, v0;
	v1 =	vadd.f32 v2, v1;
	v2 =	vmul.f32 v3, v3  }
0x8b: {  	v4 =	vld [tilespmem:s21+$0x1A0]  }
0x8c: {  	v0 =	vadd.f32 v3, v0;
	v1 =	vadd.f32 v2, v1;
	v2 =	vmul.f32 v6, v6  }
0x8d: {  	v3 =	vld [tilespmem:s21+$0x1B0]  }
0x8e: {  	v0 =	vadd.f32 v6, v0;
	v1 =	vadd.f32 v2, v1;
	v2 =	vmul.f32 v5, v5  }
0x8f: {  	v6 =	vld [tilespmem:s21+$0x1C0]  }
0x90: {  	v0 =	vadd.f32 v5, v0;
	v2 =	vadd.f32 v2, v1;
	v5 =	vmul.f32 v4, v4  }
0x91: {  	v1 =	vld [tilespmem:s21+$0x1D0]  }
.Ltmp0:
0x92: {  	v0 =	vadd.f32 v4, v0;
	v4 =	vadd.f32 v5, v2;
	v5 =	vmul.f32 v3, v3;
	(pc) =	sbr.rel @p0 .LBB2_3-.Ltmp0, $4  }
0x93: {  	v2 =	vld [tilespmem:s21+$0x1E0]  }
0x94: {  	v3 =	vadd.f32 v3, v0;
	v4 =	vadd.f32 v5, v4;
	v5 =	vmul.f32 v6, v6  }
0x95: {  	v0 =	vld [tilespmem:s21+$0x1F0]  }
0x96: {  	s21 =	sshra.s32 s22, $0x2;
	s22 =	sadd.s32 $0x800, s22;
	v3 =	vadd.f32 v6, v3;
	v4 =	vadd.f32 v5, v4;
	v5 =	vmul.f32 v1, v1  }
0x97: {  	v6 =	vld [tilespmem:s21+$0x0]  }
0x98: {  	v1 =	vadd.f32 v1, v3;
	v3 =	vadd.f32 v5, v4;
	v4 =	vmul.f32 v2, v2  }
0x99: {  	v5 =	vld [tilespmem:s21+$0x10]  }
0x9a: {  	v1 =	vadd.f32 v2, v1;
	v2 =	vadd.f32 v4, v3;
	v3 =	vmul.f32 v0, v0  }
0x9b: {  	v4 =	vld [tilespmem:s21+$0x20]  }
0x9c: {  	v7 =	vmul.f32 v6, v6;
	v0 =	vadd.f32 v0, v1;
	v1 =	vadd.f32 v3, v2  }
0x9d: {  	v2 =	vld [tilespmem:s21+$0x30]  }
0x9e: {  	v3 =	vmul.f32 v5, v5;
	v0 =	vadd.f32 v6, v0;
	v1 =	vadd.f32 v7, v1  }
0x9f: {  	v6 =	vld [tilespmem:s21+$0x40]  }
0xa0: {  	v0 =	vadd.f32 v5, v0;
	v1 =	vadd.f32 v3, v1;
	v3 =	vmul.f32 v4, v4  }
0xa1: {  	v5 =	vld [tilespmem:s21+$0x50]  }
0xa2: {  	v0 =	vadd.f32 v4, v0;
	v1 =	vadd.f32 v3, v1;
	v3 =	vmul.f32 v2, v2  }
0xa3: {  	v4 =	vld [tilespmem:s21+$0x60]  }
0xa4: {  	v0 =	vadd.f32 v2, v0;
	v1 =	vadd.f32 v3, v1;
	v2 =	vmul.f32 v6, v6  }
0xa5: {  	v3 =	vld [tilespmem:s21+$0x70]  }
0xa6: {  	v0 =	vadd.f32 v6, v0;
	v1 =	vadd.f32 v2, v1;
	v2 =	vmul.f32 v5, v5  }
0xa7: {  	v6 =	vld [tilespmem:s21+$0x80]  }
0xa8: {  	v0 =	vadd.f32 v5, v0;
	v1 =	vadd.f32 v2, v1;
	v2 =	vmul.f32 v4, v4  }
0xa9: {  	v5 =	vld [tilespmem:s21+$0x90]  }
0xaa: {  	v0 =	vadd.f32 v4, v0;
	v1 =	vadd.f32 v2, v1;
	v2 =	vmul.f32 v3, v3  }
0xab: {  	v4 =	vld [tilespmem:s21+$0xA0]  }
0xac: {  	v0 =	vadd.f32 v3, v0;
	v1 =	vadd.f32 v2, v1;
	v2 =	vmul.f32 v6, v6  }
0xad: {  	v3 =	vld [tilespmem:s21+$0xB0]  }
0xae: {  	v0 =	vadd.f32 v6, v0;
	v1 =	vadd.f32 v2, v1;
	v2 =	vmul.f32 v5, v5  }
0xaf: {  	v6 =	vld [tilespmem:s21+$0xC0]  }
0xb0: {  	v0 =	vadd.f32 v5, v0;
	v1 =	vadd.f32 v2, v1;
	v2 =	vmul.f32 v4, v4  }
0xb1: {  	v5 =	vld [tilespmem:s21+$0xD0]  }
0xb2: {  	v0 =	vadd.f32 v4, v0;
	v1 =	vadd.f32 v2, v1;
	v2 =	vmul.f32 v3, v3  }
0xb3: {  	v4 =	vld [tilespmem:s21+$0xE0]  }
0xb4: {  	v0 =	vadd.f32 v3, v0;
	v1 =	vadd.f32 v2, v1;
	v2 =	vmul.f32 v6, v6  }
0xb5: {  	v3 =	vld [tilespmem:s21+$0xF0]  }
0xb6: {  	v0 =	vadd.f32 v6, v0;
	v1 =	vadd.f32 v2, v1;
	v2 =	vmul.f32 v5, v5  }
0xb7: {  	v6 =	vld [tilespmem:s21+$0x100]  }
0xb8: {  	v0 =	vadd.f32 v5, v0;
	v1 =	vadd.f32 v2, v1;
	v2 =	vmul.f32 v4, v4  }
0xb9: {  	v5 =	vld [tilespmem:s21+$0x110]  }
0xba: {  	v0 =	vadd.f32 v4, v0;
	v1 =	vadd.f32 v2, v1;
	v2 =	vmul.f32 v3, v3  }
0xbb: {  	v4 =	vld [tilespmem:s21+$0x120]  }
0xbc: {  	v0 =	vadd.f32 v3, v0;
	v1 =	vadd.f32 v2, v1;
	v2 =	vmul.f32 v6, v6  }
0xbd: {  	v3 =	vld [tilespmem:s21+$0x130]  }
0xbe: {  	v0 =	vadd.f32 v6, v0;
	v1 =	vadd.f32 v2, v1;
	v2 =	vmul.f32 v5, v5  }
0xbf: {  	v6 =	vld [tilespmem:s21+$0x140]  }
0xc0: {  	v0 =	vadd.f32 v5, v0;
	v1 =	vadd.f32 v2, v1;
	v2 =	vmul.f32 v4, v4  }
0xc1: {  	v5 =	vld [tilespmem:s21+$0x150]  }
0xc2: {  	v0 =	vadd.f32 v4, v0;
	v1 =	vadd.f32 v2, v1;
	v2 =	vmul.f32 v3, v3  }
0xc3: {  	v4 =	vld [tilespmem:s21+$0x160]  }
0xc4: {  	v0 =	vadd.f32 v3, v0;
	v1 =	vadd.f32 v2, v1;
	v2 =	vmul.f32 v6, v6  }
0xc5: {  	v3 =	vld [tilespmem:s21+$0x170]  }
0xc6: {  	v0 =	vadd.f32 v6, v0;
	v1 =	vadd.f32 v2, v1;
	v2 =	vmul.f32 v5, v5  }
0xc7: {  	v6 =	vld [tilespmem:s21+$0x180]  }
0xc8: {  	v0 =	vadd.f32 v5, v0;
	v1 =	vadd.f32 v2, v1;
	v2 =	vmul.f32 v4, v4  }
0xc9: {  	v5 =	vld [tilespmem:s21+$0x190]  }
0xca: {  	v0 =	vadd.f32 v4, v0;
	v1 =	vadd.f32 v2, v1;
	v2 =	vmul.f32 v3, v3  }
0xcb: {  	v4 =	vld [tilespmem:s21+$0x1A0]  }
0xcc: {  	v0 =	vadd.f32 v3, v0;
	v1 =	vadd.f32 v2, v1;
	v2 =	vmul.f32 v6, v6  }
0xcd: {  	v3 =	vld [tilespmem:s21+$0x1B0]  }
0xce: {  	v0 =	vadd.f32 v6, v0;
	v1 =	vadd.f32 v2, v1;
	v2 =	vmul.f32 v5, v5  }
0xcf: {  	v6 =	vld [tilespmem:s21+$0x1C0]  }
0xd0: {  	p0 =	seq.s32 s19, $0x3;
	v7 =	vld [tilespmem:s21+$0x1E0];
	v0 =	vadd.f32 v5, v0;
	v1 =	vadd.f32 v2, v1;
	v2 =	vmul.f32 v4, v4  }
0xd1: {  	s20 =	sadd.s32 @!p0 s20, s6;
	v5 =	vld [tilespmem:s21+$0x1D0]  }
0xd2: {  	s22 =	simm.s32 @!p0 $0x400;
	s23 =	simm.s32 @!p0 $0x0;
	v0 =	vadd.f32 v4, v0;
	v1 =	vadd.f32 v2, v1;
	v2 =	vmul.f32 v3, v3;
	v4 =	vld [tilespmem:s21+$0x1F0];
	s21 =	simm.s32 @!p0 $0x200  }
0xd3: {  	[tilespmem:s23], [sflag:$0x1] =	stream.strided.gather @!p0 [hbm4b:s20+s21], $0x4000, s22, s21, $0x38;
	[tilespmem:$0x8100] =	vst v63  }
0xd4: {  	v0 =	vadd.f32 v3, v0;
	v1 =	vadd.f32 v2, v1;
	v2 =	vmul.f32 v6, v6;
	_ =	swait.ge [sflag:s14], $0x4000  }
0xd5: {  	[sflag:s14] =	ssyncset.done $0x0  }
0xd6: {  	s31 =	simm.s32 $0x0;
	v0 =	vadd.f32 v6, v0;
	v1 =	vadd.f32 v2, v1;
	v2 =	vmul.f32 v5, v5;
	[sflag:s14] =	ssyncadd.s32 $0xFFFFC000  }
0xd7: {  	v3 =	vld [tilespmem:s31+$0x4000]  }
0xd8: {  	v0 =	vadd.f32 v5, v0;
	v1 =	vadd.f32 v2, v1;
	v2 =	vmul.f32 v7, v7  }
0xd9: {  	v5 =	vld [tilespmem:s31+$0x4010]  }
0xda: {  	v0 =	vadd.f32 v7, v0;
	v1 =	vadd.f32 v2, v1;
	v2 =	vmul.f32 v4, v4  }
0xdb: {  	v6 =	vld [tilespmem:s31+$0x4020]  }
0xdc: {  	v0 =	vadd.f32 v4, v0;
	v1 =	vadd.f32 v2, v1;
	v2 =	vmul.f32 v3, v3  }
0xdd: {  	v4 =	vld [tilespmem:s31+$0x4030]  }
0xde: {  	v0 =	vadd.f32 v3, v0;
	v1 =	vadd.f32 v2, v1;
	v2 =	vmul.f32 v5, v5  }
0xdf: {  	v3 =	vld [tilespmem:s31+$0x4040]  }
0xe0: {  	v0 =	vadd.f32 v5, v0;
	v1 =	vadd.f32 v2, v1;
	v2 =	vmul.f32 v6, v6  }
0xe1: {  	v5 =	vld [tilespmem:s31+$0x4050]  }
0xe2: {  	v0 =	vadd.f32 v6, v0;
	v1 =	vadd.f32 v2, v1;
	v2 =	vmul.f32 v4, v4  }
0xe3: {  	v6 =	vld [tilespmem:s31+$0x4060]  }
0xe4: {  	v0 =	vadd.f32 v4, v0;
	v1 =	vadd.f32 v2, v1;
	v2 =	vmul.f32 v3, v3  }
0xe5: {  	v4 =	vld [tilespmem:s31+$0x4070]  }
0xe6: {  	v0 =	vadd.f32 v3, v0;
	v1 =	vadd.f32 v2, v1;
	v2 =	vmul.f32 v5, v5  }
0xe7: {  	v3 =	vld [tilespmem:s31+$0x4080]  }
0xe8: {  	v0 =	vadd.f32 v5, v0;
	v1 =	vadd.f32 v2, v1;
	v2 =	vmul.f32 v6, v6  }
0xe9: {  	v5 =	vld [tilespmem:s31+$0x4090]  }
0xea: {  	v0 =	vadd.f32 v6, v0;
	v1 =	vadd.f32 v2, v1;
	v2 =	vmul.f32 v4, v4  }
0xeb: {  	v6 =	vld [tilespmem:s31+$0x40A0]  }
0xec: {  	v0 =	vadd.f32 v4, v0;
	v1 =	vadd.f32 v2, v1;
	v2 =	vmul.f32 v3, v3  }
0xed: {  	v4 =	vld [tilespmem:s31+$0x40B0]  }
0xee: {  	v0 =	vadd.f32 v3, v0;
	v1 =	vadd.f32 v2, v1;
	v2 =	vmul.f32 v5, v5  }
0xef: {  	v3 =	vld [tilespmem:s31+$0x40C0]  }
0xf0: {  	v0 =	vadd.f32 v5, v0;
	v1 =	vadd.f32 v2, v1;
	v2 =	vmul.f32 v6, v6  }
0xf1: {  	v5 =	vld [tilespmem:s31+$0x40D0]  }
0xf2: {  	v0 =	vadd.f32 v6, v0;
	v1 =	vadd.f32 v2, v1;
	v2 =	vmul.f32 v4, v4  }
0xf3: {  	v6 =	vld [tilespmem:s31+$0x40E0]  }
0xf4: {  	v0 =	vadd.f32 v4, v0;
	v1 =	vadd.f32 v2, v1;
	v2 =	vmul.f32 v3, v3  }
0xf5: {  	v4 =	vld [tilespmem:s31+$0x40F0]  }
0xf6: {  	v0 =	vadd.f32 v3, v0;
	v1 =	vadd.f32 v2, v1;
	v2 =	vmul.f32 v5, v5  }
0xf7: {  	v3 =	vld [tilespmem:s31+$0x4100]  }
0xf8: {  	v0 =	vadd.f32 v5, v0;
	v1 =	vadd.f32 v2, v1;
	v2 =	vmul.f32 v6, v6  }
0xf9: {  	v5 =	vld [tilespmem:s31+$0x4110]  }
0xfa: {  	v0 =	vadd.f32 v6, v0;
	v1 =	vadd.f32 v2, v1;
	v2 =	vmul.f32 v4, v4  }
0xfb: {  	v6 =	vld [tilespmem:s31+$0x4120]  }
0xfc: {  	v0 =	vadd.f32 v4, v0;
	v1 =	vadd.f32 v2, v1;
	v2 =	vmul.f32 v3, v3  }
0xfd: {  	v4 =	vld [tilespmem:s31+$0x4130]  }
0xfe: {  	v0 =	vadd.f32 v3, v0;
	v1 =	vadd.f32 v2, v1;
	v2 =	vmul.f32 v5, v5  }
0xff: {  	v3 =	vld [tilespmem:s31+$0x4140]  }
0x100: {  	v0 =	vadd.f32 v5, v0;
	v1 =	vadd.f32 v2, v1;
	v2 =	vmul.f32 v6, v6  }
0x101: {  	v5 =	vld [tilespmem:s31+$0x4150]  }
0x102: {  	v0 =	vadd.f32 v6, v0;
	v1 =	vadd.f32 v2, v1;
	v2 =	vmul.f32 v4, v4  }
0x103: {  	v6 =	vld [tilespmem:s31+$0x4160]  }
0x104: {  	v0 =	vadd.f32 v4, v0;
	v1 =	vadd.f32 v2, v1;
	v2 =	vmul.f32 v3, v3  }
0x105: {  	v4 =	vld [tilespmem:s31+$0x4170]  }
0x106: {  	v0 =	vadd.f32 v3, v0;
	v1 =	vadd.f32 v2, v1;
	v2 =	vmul.f32 v5, v5  }
0x107: {  	v3 =	vld [tilespmem:s31+$0x4180]  }
0x108: {  	v0 =	vadd.f32 v5, v0;
	v1 =	vadd.f32 v2, v1;
	v2 =	vmul.f32 v6, v6  }
0x109: {  	v5 =	vld [tilespmem:s31+$0x4190]  }
0x10a: {  	v0 =	vadd.f32 v6, v0;
	v1 =	vadd.f32 v2, v1;
	v2 =	vmul.f32 v4, v4  }
0x10b: {  	v6 =	vld [tilespmem:s31+$0x41A0]  }
0x10c: {  	v0 =	vadd.f32 v4, v0;
	v1 =	vadd.f32 v2, v1;
	v2 =	vmul.f32 v3, v3  }
0x10d: {  	v4 =	vld [tilespmem:s31+$0x41B0]  }
0x10e: {  	v0 =	vadd.f32 v3, v0;
	v1 =	vadd.f32 v2, v1;
	v2 =	vmul.f32 v5, v5;
	_ =	sdelay $0x1  }
0x10f: {  	v3 =	vld [tilespmem:s31+$0x41C0];
	v0 =	vadd.f32 v5, v0;
	v2 =	vadd.f32 v2, v1;
	v5 =	vmul.f32 v6, v6;
	_ =	sdelay $0x1  }
0x110: {  	v1 =	vld [tilespmem:s31+$0x41D0];
	v2 =	vadd.f32 v5, v2;
	v5 =	vmul.f32 v4, v4  }
0x111: {  	v0 =	vadd.f32 v6, v0  }
0x112: {  	v5 =	vadd.f32 v5, v2;
	v2 =	vld [tilespmem:s31+$0x41E0]  }
0x113: {  	v6 =	vmul.f32 v3, v3;
	v4 =	vadd.f32 v4, v0  }
0x114: {  	v0 =	vld [tilespmem:s31+$0x41F0]  }
0x115: {  	s20 =	simm.s32 $0x200;
	s21 =	simm.s32 $0x1000;
	v3 =	vadd.f32 v3, v4;
	v4 =	vadd.f32 v6, v5;
	v5 =	vmul.f32 v1, v1  }
.LBB2_5:
0x116: {  	p0 =	sne.s32 s21, $0xF800;
	v6 =	vld [tilespmem:s20+$0x4000]  }
0x117: {  	v1 =	vadd.f32 v1, v3;
	v3 =	vadd.f32 v5, v4;
	v4 =	vmul.f32 v2, v2  }
0x118: {  	v5 =	vld [tilespmem:s20+$0x4010]  }
0x119: {  	v1 =	vadd.f32 v2, v1;
	v2 =	vadd.f32 v4, v3;
	v3 =	vmul.f32 v0, v0  }
0x11a: {  	v4 =	vld [tilespmem:s20+$0x4020]  }
0x11b: {  	v7 =	vmul.f32 v6, v6;
	v0 =	vadd.f32 v0, v1;
	v1 =	vadd.f32 v3, v2  }
0x11c: {  	v2 =	vld [tilespmem:s20+$0x4030]  }
0x11d: {  	v0 =	vadd.f32 v6, v0;
	v1 =	vadd.f32 v7, v1;
	v3 =	vmul.f32 v5, v5  }
0x11e: {  	v6 =	vld [tilespmem:s20+$0x4040]  }
0x11f: {  	v0 =	vadd.f32 v5, v0;
	v1 =	vadd.f32 v3, v1;
	v3 =	vmul.f32 v4, v4  }
0x120: {  	v5 =	vld [tilespmem:s20+$0x4050]  }
0x121: {  	v0 =	vadd.f32 v4, v0;
	v1 =	vadd.f32 v3, v1;
	v3 =	vmul.f32 v2, v2  }
0x122: {  	v4 =	vld [tilespmem:s20+$0x4060]  }
0x123: {  	v0 =	vadd.f32 v2, v0;
	v1 =	vadd.f32 v3, v1;
	v2 =	vmul.f32 v6, v6  }
0x124: {  	v3 =	vld [tilespmem:s20+$0x4070]  }
0x125: {  	v0 =	vadd.f32 v6, v0;
	v1 =	vadd.f32 v2, v1;
	v2 =	vmul.f32 v5, v5  }
0x126: {  	v6 =	vld [tilespmem:s20+$0x4080]  }
0x127: {  	v0 =	vadd.f32 v5, v0;
	v1 =	vadd.f32 v2, v1;
	v2 =	vmul.f32 v4, v4  }
0x128: {  	v5 =	vld [tilespmem:s20+$0x4090]  }
0x129: {  	v0 =	vadd.f32 v4, v0;
	v1 =	vadd.f32 v2, v1;
	v2 =	vmul.f32 v3, v3  }
0x12a: {  	v4 =	vld [tilespmem:s20+$0x40A0]  }
0x12b: {  	v0 =	vadd.f32 v3, v0;
	v1 =	vadd.f32 v2, v1;
	v2 =	vmul.f32 v6, v6  }
0x12c: {  	v3 =	vld [tilespmem:s20+$0x40B0]  }
0x12d: {  	v0 =	vadd.f32 v6, v0;
	v1 =	vadd.f32 v2, v1;
	v2 =	vmul.f32 v5, v5  }
0x12e: {  	v6 =	vld [tilespmem:s20+$0x40C0]  }
0x12f: {  	v0 =	vadd.f32 v5, v0;
	v1 =	vadd.f32 v2, v1;
	v2 =	vmul.f32 v4, v4  }
0x130: {  	v5 =	vld [tilespmem:s20+$0x40D0]  }
0x131: {  	v0 =	vadd.f32 v4, v0;
	v1 =	vadd.f32 v2, v1;
	v2 =	vmul.f32 v3, v3  }
0x132: {  	v4 =	vld [tilespmem:s20+$0x40E0]  }
0x133: {  	v0 =	vadd.f32 v3, v0;
	v1 =	vadd.f32 v2, v1;
	v2 =	vmul.f32 v6, v6  }
0x134: {  	v3 =	vld [tilespmem:s20+$0x40F0]  }
0x135: {  	v0 =	vadd.f32 v6, v0;
	v1 =	vadd.f32 v2, v1;
	v2 =	vmul.f32 v5, v5  }
0x136: {  	v6 =	vld [tilespmem:s20+$0x4100]  }
0x137: {  	v0 =	vadd.f32 v5, v0;
	v1 =	vadd.f32 v2, v1;
	v2 =	vmul.f32 v4, v4  }
0x138: {  	v5 =	vld [tilespmem:s20+$0x4110]  }
0x139: {  	v0 =	vadd.f32 v4, v0;
	v1 =	vadd.f32 v2, v1;
	v2 =	vmul.f32 v3, v3  }
0x13a: {  	v4 =	vld [tilespmem:s20+$0x4120]  }
0x13b: {  	v0 =	vadd.f32 v3, v0;
	v1 =	vadd.f32 v2, v1;
	v2 =	vmul.f32 v6, v6  }
0x13c: {  	v3 =	vld [tilespmem:s20+$0x4130]  }
0x13d: {  	v0 =	vadd.f32 v6, v0;
	v1 =	vadd.f32 v2, v1;
	v2 =	vmul.f32 v5, v5  }
0x13e: {  	v6 =	vld [tilespmem:s20+$0x4140]  }
0x13f: {  	v0 =	vadd.f32 v5, v0;
	v1 =	vadd.f32 v2, v1;
	v2 =	vmul.f32 v4, v4  }
0x140: {  	v5 =	vld [tilespmem:s20+$0x4150]  }
0x141: {  	v0 =	vadd.f32 v4, v0;
	v1 =	vadd.f32 v2, v1;
	v2 =	vmul.f32 v3, v3  }
0x142: {  	v4 =	vld [tilespmem:s20+$0x4160]  }
0x143: {  	v0 =	vadd.f32 v3, v0;
	v1 =	vadd.f32 v2, v1;
	v2 =	vmul.f32 v6, v6  }
0x144: {  	v3 =	vld [tilespmem:s20+$0x4170]  }
0x145: {  	v0 =	vadd.f32 v6, v0;
	v1 =	vadd.f32 v2, v1;
	v2 =	vmul.f32 v5, v5  }
0x146: {  	v6 =	vld [tilespmem:s20+$0x4180]  }
0x147: {  	v0 =	vadd.f32 v5, v0;
	v1 =	vadd.f32 v2, v1;
	v2 =	vmul.f32 v4, v4  }
0x148: {  	v5 =	vld [tilespmem:s20+$0x4190]  }
0x149: {  	v0 =	vadd.f32 v4, v0;
	v1 =	vadd.f32 v2, v1;
	v2 =	vmul.f32 v3, v3  }
0x14a: {  	v4 =	vld [tilespmem:s20+$0x41A0]  }
0x14b: {  	v0 =	vadd.f32 v3, v0;
	v1 =	vadd.f32 v2, v1;
	v2 =	vmul.f32 v6, v6  }
0x14c: {  	v3 =	vld [tilespmem:s20+$0x41B0]  }
0x14d: {  	v0 =	vadd.f32 v6, v0;
	v1 =	vadd.f32 v2, v1;
	v2 =	vmul.f32 v5, v5  }
0x14e: {  	v6 =	vld [tilespmem:s20+$0x41C0]  }
0x14f: {  	v0 =	vadd.f32 v5, v0;
	v2 =	vadd.f32 v2, v1;
	v5 =	vmul.f32 v4, v4  }
0x150: {  	v1 =	vld [tilespmem:s20+$0x41D0]  }
.Ltmp1:
0x151: {  	v0 =	vadd.f32 v4, v0;
	v4 =	vadd.f32 v5, v2;
	v5 =	vmul.f32 v3, v3;
	(pc) =	sbr.rel @p0 .LBB2_5-.Ltmp1, $4  }
0x152: {  	v2 =	vld [tilespmem:s20+$0x41E0]  }
0x153: {  	v3 =	vadd.f32 v3, v0;
	v4 =	vadd.f32 v5, v4;
	v5 =	vmul.f32 v6, v6  }
0x154: {  	v0 =	vld [tilespmem:s20+$0x41F0]  }
0x155: {  	s20 =	sshra.s32 s21, $0x2;
	s21 =	sadd.s32 $0x800, s21;
	v3 =	vadd.f32 v6, v3;
	v4 =	vadd.f32 v5, v4;
	v5 =	vmul.f32 v1, v1  }
0x156: {  	v6 =	vld [tilespmem:s20+$0x4000]  }
0x157: {  	v1 =	vadd.f32 v1, v3;
	v3 =	vadd.f32 v5, v4;
	v39 =	vmul.f32 v2, v2  }
0x158: {  	v40 =	vld [tilespmem:s20+$0x4010]  }
0x159: {  	v1 =	vadd.f32 v2, v1;
	v2 =	vadd.f32 v39, v3;
	v3 =	vmul.f32 v0, v0  }
0x15a: {  	v41 =	vld [tilespmem:s20+$0x4020]  }
0x15b: {  	v7 =	vmul.f32 v6, v6;
	v0 =	vadd.f32 v0, v1;
	v1 =	vadd.f32 v3, v2  }
0x15c: {  	v2 =	vld [tilespmem:s20+$0x4030]  }
0x15d: {  	v3 =	vmul.f32 v40, v40;
	v0 =	vadd.f32 v6, v0;
	v1 =	vadd.f32 v7, v1  }
0x15e: {  	v42 =	vld [tilespmem:s20+$0x4040]  }
0x15f: {  	v0 =	vadd.f32 v40, v0;
	v1 =	vadd.f32 v3, v1;
	v3 =	vmul.f32 v41, v41  }
0x160: {  	v43 =	vld [tilespmem:s20+$0x4050]  }
0x161: {  	v0 =	vadd.f32 v41, v0;
	v1 =	vadd.f32 v3, v1;
	v3 =	vmul.f32 v2, v2  }
0x162: {  	v44 =	vld [tilespmem:s20+$0x4060]  }
0x163: {  	v0 =	vadd.f32 v2, v0;
	v1 =	vadd.f32 v3, v1;
	v2 =	vmul.f32 v42, v42  }
0x164: {  	v3 =	vld [tilespmem:s20+$0x4070]  }
0x165: {  	v0 =	vadd.f32 v42, v0;
	v1 =	vadd.f32 v2, v1;
	v2 =	vmul.f32 v43, v43  }
0x166: {  	v45 =	vld [tilespmem:s20+$0x4080]  }
0x167: {  	v0 =	vadd.f32 v43, v0;
	v1 =	vadd.f32 v2, v1;
	v2 =	vmul.f32 v44, v44  }
0x168: {  	v46 =	vld [tilespmem:s20+$0x4090]  }
0x169: {  	v0 =	vadd.f32 v44, v0;
	v1 =	vadd.f32 v2, v1;
	v2 =	vmul.f32 v3, v3  }
0x16a: {  	v47 =	vld [tilespmem:s20+$0x40A0]  }
0x16b: {  	v0 =	vadd.f32 v3, v0;
	v1 =	vadd.f32 v2, v1;
	v2 =	vmul.f32 v45, v45  }
0x16c: {  	v3 =	vld [tilespmem:s20+$0x40B0]  }
0x16d: {  	v0 =	vadd.f32 v45, v0;
	v1 =	vadd.f32 v2, v1;
	v2 =	vmul.f32 v46, v46  }
0x16e: {  	v48 =	vld [tilespmem:s20+$0x40C0]  }
0x16f: {  	v0 =	vadd.f32 v46, v0;
	v1 =	vadd.f32 v2, v1;
	v2 =	vmul.f32 v47, v47  }
0x170: {  	v49 =	vld [tilespmem:s20+$0x40D0]  }
0x171: {  	v0 =	vadd.f32 v47, v0;
	v1 =	vadd.f32 v2, v1;
	v2 =	vmul.f32 v3, v3  }
0x172: {  	v50 =	vld [tilespmem:s20+$0x40E0]  }
0x173: {  	v0 =	vadd.f32 v3, v0;
	v1 =	vadd.f32 v2, v1;
	v2 =	vmul.f32 v48, v48  }
0x174: {  	v3 =	vld [tilespmem:s20+$0x40F0]  }
0x175: {  	v0 =	vadd.f32 v48, v0;
	v1 =	vadd.f32 v2, v1;
	v2 =	vmul.f32 v49, v49  }
0x176: {  	v51 =	vld [tilespmem:s20+$0x4100]  }
0x177: {  	v0 =	vadd.f32 v49, v0;
	v1 =	vadd.f32 v2, v1;
	v2 =	vmul.f32 v50, v50  }
0x178: {  	v52 =	vld [tilespmem:s20+$0x4110]  }
0x179: {  	v0 =	vadd.f32 v50, v0;
	v1 =	vadd.f32 v2, v1;
	v2 =	vmul.f32 v3, v3  }
0x17a: {  	v53 =	vld [tilespmem:s20+$0x4120]  }
0x17b: {  	v0 =	vadd.f32 v3, v0;
	v1 =	vadd.f32 v2, v1;
	v2 =	vmul.f32 v51, v51  }
0x17c: {  	v3 =	vld [tilespmem:s20+$0x4130]  }
0x17d: {  	v0 =	vadd.f32 v51, v0;
	v1 =	vadd.f32 v2, v1;
	v2 =	vmul.f32 v52, v52  }
0x17e: {  	v54 =	vld [tilespmem:s20+$0x4140]  }
0x17f: {  	v0 =	vadd.f32 v52, v0;
	v1 =	vadd.f32 v2, v1;
	v2 =	vmul.f32 v53, v53  }
0x180: {  	v55 =	vld [tilespmem:s20+$0x4150]  }
0x181: {  	v0 =	vadd.f32 v53, v0;
	v1 =	vadd.f32 v2, v1;
	v2 =	vmul.f32 v3, v3  }
0x182: {  	v56 =	vld [tilespmem:s20+$0x4160]  }
0x183: {  	v0 =	vadd.f32 v3, v0;
	v1 =	vadd.f32 v2, v1;
	v2 =	vmul.f32 v54, v54  }
0x184: {  	v3 =	vld [tilespmem:s20+$0x4170]  }
0x185: {  	v0 =	vadd.f32 v54, v0;
	v1 =	vadd.f32 v2, v1;
	v2 =	vmul.f32 v55, v55  }
0x186: {  	v57 =	vld [tilespmem:s20+$0x4180]  }
0x187: {  	v0 =	vadd.f32 v55, v0;
	v1 =	vadd.f32 v2, v1;
	v2 =	vmul.f32 v56, v56  }
0x188: {  	v58 =	vld [tilespmem:s20+$0x4190]  }
0x189: {  	v0 =	vadd.f32 v56, v0;
	v1 =	vadd.f32 v2, v1;
	v2 =	vmul.f32 v3, v3  }
0x18a: {  	v59 =	vld [tilespmem:s20+$0x41A0]  }
0x18b: {  	v0 =	vadd.f32 v3, v0;
	v1 =	vadd.f32 v2, v1;
	v2 =	vmul.f32 v57, v57  }
0x18c: {  	v3 =	vld [tilespmem:s20+$0x41B0]  }
0x18d: {  	v0 =	vadd.f32 v57, v0;
	v1 =	vadd.f32 v2, v1;
	v2 =	vmul.f32 v58, v58  }
0x18e: {  	v60 =	vld [tilespmem:s20+$0x41C0]  }
0x18f: {  	v0 =	vadd.f32 v58, v0;
	v1 =	vadd.f32 v2, v1;
	v2 =	vmul.f32 v59, v59  }
0x190: {  	v61 =	vld [tilespmem:s20+$0x41D0]  }
0x191: {  	v0 =	vadd.f32 v59, v0;
	v1 =	vadd.f32 v2, v1;
	v2 =	vmul.f32 v3, v3  }
0x192: {  	v62 =	vld [tilespmem:s20+$0x41E0]  }
0x193: {  	v0 =	vadd.f32 v3, v0;
	v1 =	vadd.f32 v2, v1;
	v2 =	vmul.f32 v60, v60  }
0x194: {  	v3 =	vld [tilespmem:s20+$0x41F0]  }
0x195: {  	s19 =	sadd.s32 $0x1, s19;
	v0 =	vadd.f32 v60, v0;
	v1 =	vadd.f32 v2, v1;
	v2 =	vmul.f32 v61, v61  }
0x196: {  	p0 =	sne.s32 s19, $0x4  }
.Ltmp2:
0x197: {  	v0 =	vadd.f32 v61, v0;
	v1 =	vadd.f32 v2, v1;
	v2 =	vmul.f32 v62, v62;
	(pc) =	sbr.rel @p0 .LBB2_2-.Ltmp2, $3  }
0x198: {  	_ = 	snop  }
0x199: {  	v63 =	vmul.f32 v3, v3;
	v0 =	vadd.f32 v62, v0;
	v2 =	vadd.f32 v2, v1;
	_ =	sdelay $0x1  }
0x19a: {  	v1 =	vadd.f32 v3, v0;
	v0 =	vadd.f32 v63, v2  }
0x19b: {  	_ = 	snop  }
0x19c: {  	[tilespmem:$0x8000] =	vst v1  }
0x19d: {  	[tilespmem:$0x8080] =	vst v0  }
0x19e: {  	[hbm4b:s7+s2] =	stream.linear.scatter [tilespmem:s15], [sflag:$0x3], $0x80, $0x38;
	[tilespmem:$0x8100] =	vst v63  }
0x19f: {  	s18 =	sadd.s32 $0x1, s18;
	_ =	swait.ge [sflag:s16], $0x80  }
0x1a0: {  	p0 =	sne.s32 s18, s9;
	[sflag:s16] =	ssyncset.done $0x0  }
.Ltmp3:
0x1a1: {  	[sflag:s16] =	ssyncadd.s32 $0xFFFFFF80;
	(pc) =	sbr.rel @p0 .LBB2_1-.Ltmp3, $4  }
0x1a2: {  	[hbm4b:s8+s2] =	stream.linear.scatter [tilespmem:s17], [sflag:$0x3], $0x80, $0x38;
	[tilespmem:$0x8100] =	vst v63  }
0x1a3: {  	_ =	swait.ge [sflag:s16], $0x80  }
0x1a4: {  	[sflag:s16] =	ssyncset.done $0x0  }
0x1a5: {  	[sflag:s16] =	ssyncadd.s32 $0xFFFFFF80  }
0x1a6: {  	_ =	sfence.sel $0x180000  }
0x1a7: {  	[bflag:$0x0] =	sbarrier.arrive $0xFFFF  }
0x1a8: {  	p0 =	sne.s32 s1, $0x0;
	_ =	strace $0x90000047  }
0x1a9: {  	s0 =	sadd.s32 @!p0 $0x100000, s0;
	[bflag:$0x2] =	sbarrier.arrive $0xFFFF  }
0x1aa: {  	[sflag:s0] =	ssyncadd.tile.s32 @!p0 $0x1;
	_ =	shalt  }
.Lfunc_end2:
_tile_overlayer_lowered:
.L_overlay_start_2:
0x1ab: {  	(tag) =	ssettag $0x2  }
0x1ac: {  	s0 =	rddreg [dreg:$0x0];
	s2 =	stileid.u32  }
0x1ad: {  	s1 =	rddreg [dreg:$0x1];
	p0 =	sne.s32 s2, $0x0  }
0x1ae: {  	s3 =	rddreg [dreg:$0x2];
	[bflag:$0x3] =	sbarrier.arrive $0xFFFF;
	s2 =	simm.s32 @!p0 $0x1C03  }
0x1af: {  	[timem:s3], [sflag:s2] =	dma.local @!p0 [hbm:s0], s1  }
0x1b0: {  	s0 =	simm.s32 @!p0 $0x3  }
0x1b1: {  	_ =	swait.ge @!p0 [sflag:s0], s1  }
0x1b2: {  	s1 =	ssub.s32 @!p0 $0x0, s1;
	[sflag:s0] =	ssyncset.done @!p0 $0x0  }
0x1b3: {  	[sflag:s0] =	ssyncadd.s32 @!p0 s1  }
0x1b4: {  	[bflag:$0x3] =	sbarrier.arrive $0xFFFF  }
0x1b5: {  	_ =	shalt  }

</sc_bundles>
